<compile_context>
chip_gen: v7x
topology: tpu7x:2x2x1
jax: 0.10.2.dev20260603
libtpu: 0.0.44.dev20260713+nightly
codegen_flags: <defaults>
</compile_context>

<pallas_src>
import functools

import jax
import jax.numpy as jnp
from jax import lax
from jax.experimental import pallas as pl
from jax.experimental.pallas import tpu as pltpu
from jax.experimental.pallas import tpu_sc as plsc

DIM = 64
CHUNK = 800
NBUF = 2


def _make_sc_kernel(n_rows: int, n_workers: int):
    rows_per_w = n_rows // n_workers
    n_chunks = rows_per_w // CHUNK
    mesh = plsc.VectorSubcoreMesh(core_axis_name="c", subcore_axis_name="s")

    @functools.partial(
        pl.kernel,
        mesh=mesh,
        compiler_params=pltpu.CompilerParams(use_tc_tiling_on_sc=False),
        out_type=jax.ShapeDtypeStruct((n_rows, DIM), jnp.float32),
        scratch_types=[
            [pltpu.VMEM((CHUNK,), jnp.int32)] * NBUF,
            [pltpu.VMEM((CHUNK,), jnp.int32)] * NBUF,
            [pltpu.VMEM((CHUNK,), jnp.int32)] * NBUF,
            [pltpu.VMEM((CHUNK, DIM), jnp.float32)] * NBUF,
            [pltpu.SemaphoreType.DMA] * NBUF,
            [pltpu.SemaphoreType.DMA] * NBUF,
        ],
    )
    def sc_kernel(idx_a_hbm, idx_b_hbm, idx_c_hbm, tab_a_hbm, tab_b_hbm,
                  tab_c_hbm, pos_hbm, out_hbm,
                  idx_a, idx_b, idx_c, acc, sem_g, sem_o):
        n_cores = 2
        wid = lax.axis_index("s") * n_cores + lax.axis_index("c")
        w_base = wid * rows_per_w

        gathers = [None] * NBUF
        out_cp = [None] * NBUF

        def chunk_slice(c):
            return pl.ds(w_base + c * CHUNK, CHUNK)

        for c in range(n_chunks):
            p = c % NBUF
            if out_cp[p] is not None:
                out_cp[p].wait()
            sl = chunk_slice(c)
            pltpu.sync_copy(idx_a_hbm.at[sl], idx_a[p])
            pltpu.sync_copy(idx_b_hbm.at[sl], idx_b[p])
            pltpu.sync_copy(idx_c_hbm.at[sl], idx_c[p])
            pltpu.sync_copy(pos_hbm, acc[p])
            gathers[p] = [
                pltpu.async_copy(tab_a_hbm.at[idx_a[p]], acc[p], sem_g[p], add=True),
                pltpu.async_copy(tab_b_hbm.at[idx_b[p]], acc[p], sem_g[p], add=True),
                pltpu.async_copy(tab_c_hbm.at[idx_c[p]], acc[p], sem_g[p], add=True),
            ]
            if c >= 1:
                q = (c - 1) % NBUF
                for d in gathers[q]:
                    d.wait()
                out_cp[q] = pltpu.async_copy(acc[q], out_hbm.at[chunk_slice(c - 1)], sem_o[q])
        last = (n_chunks - 1) % NBUF
        for d in gathers[last]:
            d.wait()
        pltpu.async_copy(acc[last], out_hbm.at[chunk_slice(n_chunks - 1)], sem_o[last]).wait()
        for c in range(max(n_chunks - NBUF, 0), n_chunks - 1):
            out_cp[c % NBUF].wait()

    return sc_kernel


def kernel(feat_item, feat_category, feat_brand, positions,
           table_item, table_category, table_brand, table_position):
    batch, pos_len = feat_item.shape
    n_rows = batch * pos_len

    idx_a = feat_item.reshape(n_rows)
    idx_b = feat_category.reshape(n_rows)
    idx_c = feat_brand.reshape(n_rows)

    pos_rows = jnp.take(table_position, positions, axis=0)
    pos_block = jnp.tile(pos_rows, (CHUNK // pos_len, 1))

    sc = _make_sc_kernel(n_rows, 32)
    out = sc(idx_a, idx_b, idx_c, table_item, table_category,
             table_brand, pos_block)
    return out.reshape(batch, pos_len, DIM)

# --- scband reference (transcript-rebuilt; emitter-appended) ---
"""Pipeline reference for scband-encoder-embedding-19361712571034 (READ-ONLY COPY).

The authoritative reference and input builder live on the scoring server;
editing this copy changes nothing except your own understanding.
"""

import jax, jax.numpy as jnp
import numpy as np

VOCAB = 100000
POS_LEN = 50
DIM = 64
BATCH = 4096


def setup_inputs(seed: int = 0) -> dict:
    key = jax.random.key(seed)
    ks = jax.random.split(key, 8)
    inp = {}
    # forward index inputs (input_features dict flattened)
    inp["feat_item"] = jax.random.randint(ks[0], (BATCH, POS_LEN), 0, VOCAB, dtype=jnp.int32)
    inp["feat_category"] = jax.random.randint(ks[1], (BATCH, POS_LEN), 0, VOCAB, dtype=jnp.int32)
    inp["feat_brand"] = jax.random.randint(ks[2], (BATCH, POS_LEN), 0, VOCAB, dtype=jnp.int32)
    # position indices (self.seq_size in the torch module: a tensor of positions)
    inp["positions"] = jnp.arange(POS_LEN, dtype=jnp.int32)
    # learned embedding tables (embedding_by_feature)
    inp["table_item"] = jax.random.normal(ks[3], (VOCAB, DIM), dtype=jnp.float32) * 0.02
    inp["table_category"] = jax.random.normal(ks[4], (VOCAB, DIM), dtype=jnp.float32) * 0.02
    inp["table_brand"] = jax.random.normal(ks[5], (VOCAB, DIM), dtype=jnp.float32) * 0.02
    inp["table_position"] = jax.random.normal(ks[6], (POS_LEN, DIM), dtype=jnp.float32) * 0.02
    return inp


def reference(feat_item, feat_category, feat_brand, positions,
              table_item, table_category, table_brand, table_position):
    # embed_output = sum of per-feature embedding lookups
    embed_output = jnp.take(table_item, feat_item, axis=0)
    embed_output = embed_output + jnp.take(table_category, feat_category, axis=0)
    embed_output = embed_output + jnp.take(table_brand, feat_brand, axis=0)
    # += position embedding: embedding_by_feature['position'](self.seq_size)
    pos_emb = jnp.take(table_position, positions, axis=0)  # [POS_LEN, DIM]
    embed_output = embed_output + pos_emb[None, :, :]
    # dropout with p=0.0 / eval mode -> identity; freeze_embedding=False -> no detach
    return embed_output

if __name__ == "__main__":
    import jax
    _d = setup_inputs()
    print(jax.jit(kernel)(*tuple(_d.values())))

</pallas_src>

<mosaic_0001>
#map = affine_map<(d0, d1) -> (0)>
#map1 = affine_map<(d0, d1) -> (0, 0)>
module attributes {stable_mosaic.version = 14 : i64} {
  func.func @sc_kernel(%arg0: i32, %arg1: i32, %arg2: memref<204800xi32, #tpu.memory_space<hbm>>, %arg3: memref<204800xi32, #tpu.memory_space<hbm>>, %arg4: memref<204800xi32, #tpu.memory_space<hbm>>, %arg5: memref<100000x64xf32, #tpu.memory_space<hbm>>, %arg6: memref<100000x64xf32, #tpu.memory_space<hbm>>, %arg7: memref<100000x64xf32, #tpu.memory_space<hbm>>, %arg8: memref<800x64xf32, #tpu.memory_space<hbm>>, %arg9: memref<204800x64xf32, #tpu.memory_space<hbm>>, %arg10: memref<800xi32, #tpu.memory_space<vmem>>, %arg11: memref<800xi32, #tpu.memory_space<vmem>>, %arg12: memref<800xi32, #tpu.memory_space<vmem>>, %arg13: memref<800xi32, #tpu.memory_space<vmem>>, %arg14: memref<800xi32, #tpu.memory_space<vmem>>, %arg15: memref<800xi32, #tpu.memory_space<vmem>>, %arg16: memref<800x64xf32, #tpu.memory_space<vmem>>, %arg17: memref<800x64xf32, #tpu.memory_space<vmem>>, %arg18: memref<!tpu.dma_semaphore, #tpu.memory_space<semaphore_mem>>, %arg19: memref<!tpu.dma_semaphore, #tpu.memory_space<semaphore_mem>>, %arg20: memref<!tpu.dma_semaphore, #tpu.memory_space<semaphore_mem>>, %arg21: memref<!tpu.dma_semaphore, #tpu.memory_space<semaphore_mem>>) attributes {dimension_semantics = [#tpu.dimension_semantics<core_parallel>, #tpu.dimension_semantics<subcore_parallel>], iteration_bounds = array<i64: 2, 16>, scalar_prefetch = 0 : i64, scratch_operands = 12 : i64, tpu.core_type = #tpu.core_type<sc_vector_subcore>, window_params = [{transform_indices = #map}, {transform_indices = #map}, {transform_indices = #map}, {transform_indices = #map1}, {transform_indices = #map1}, {transform_indices = #map1}, {transform_indices = #map1}, {transform_indices = #map1}]} {
    %mul3A = arith.constant 2 : i32
    %mul3A_0 = arith.muli %arg1, %mul3A : i32
    %add3A = arith.addi %mul3A_0, %arg0 : i32
    %mul3A_1 = arith.constant 6400 : i32
    %mul3A_2 = arith.muli %add3A, %mul3A_1 : i32
    %add3A_3 = arith.constant 0 : i32
    %add3A_4 = arith.addi %mul3A_2, %add3A_3 : i32
    "tpu.region"() ({
      %run_scoped3A = tpu.sem_alloc : memref<!tpu.dma_semaphore, #tpu.memory_space<semaphore_mem>>
      %dma_start3A_241 = tpu.memref_slice %arg2[%add3A_4] : memref<204800xi32, #tpu.memory_space<hbm>> -> memref<800xi32, #tpu.memory_space<hbm>>
      %dma_start3A_242 = tpu.memref_slice %arg2[%add3A_4] : memref<204800xi32, #tpu.memory_space<hbm>> -> memref<800xi32, #tpu.memory_space<hbm>>
      tpu.enqueue_dma source(%dma_start3A_242 : memref<800xi32, #tpu.memory_space<hbm>>) target(%arg10 : memref<800xi32, #tpu.memory_space<vmem>>) target_semaphore(%run_scoped3A : memref<!tpu.dma_semaphore, #tpu.memory_space<semaphore_mem>>)
      %dma_wait3A_243 = tpu.memref_slice %arg2[%add3A_4] : memref<204800xi32, #tpu.memory_space<hbm>> -> memref<800xi32, #tpu.memory_space<hbm>>
      %dma_wait3A_244 = tpu.memref_slice %arg2[%add3A_4] : memref<204800xi32, #tpu.memory_space<hbm>> -> memref<800xi32, #tpu.memory_space<hbm>>
      tpu.wait_dma2 semaphore(%run_scoped3A : memref<!tpu.dma_semaphore, #tpu.memory_space<semaphore_mem>>) src(%dma_wait3A_244 : memref<800xi32, #tpu.memory_space<hbm>>) dst(%arg10 : memref<800xi32, #tpu.memory_space<vmem>>)
      tpu.yield
    }) : () -> ()
    "tpu.region"() ({
      %run_scoped3A = tpu.sem_alloc : memref<!tpu.dma_semaphore, #tpu.memory_space<semaphore_mem>>
      %dma_start3A_241 = tpu.memref_slice %arg3[%add3A_4] : memref<204800xi32, #tpu.memory_space<hbm>> -> memref<800xi32, #tpu.memory_space<hbm>>
      %dma_start3A_242 = tpu.memref_slice %arg3[%add3A_4] : memref<204800xi32, #tpu.memory_space<hbm>> -> memref<800xi32, #tpu.memory_space<hbm>>
      tpu.enqueue_dma source(%dma_start3A_242 : memref<800xi32, #tpu.memory_space<hbm>>) target(%arg12 : memref<800xi32, #tpu.memory_space<vmem>>) target_semaphore(%run_scoped3A : memref<!tpu.dma_semaphore, #tpu.memory_space<semaphore_mem>>)
      %dma_wait3A_243 = tpu.memref_slice %arg3[%add3A_4] : memref<204800xi32, #tpu.memory_space<hbm>> -> memref<800xi32, #tpu.memory_space<hbm>>
      %dma_wait3A_244 = tpu.memref_slice %arg3[%add3A_4] : memref<204800xi32, #tpu.memory_space<hbm>> -> memref<800xi32, #tpu.memory_space<hbm>>
      tpu.wait_dma2 semaphore(%run_scoped3A : memref<!tpu.dma_semaphore, #tpu.memory_space<semaphore_mem>>) src(%dma_wait3A_244 : memref<800xi32, #tpu.memory_space<hbm>>) dst(%arg12 : memref<800xi32, #tpu.memory_space<vmem>>)
      tpu.yield
    }) : () -> ()
    "tpu.region"() ({
      %run_scoped3A = tpu.sem_alloc : memref<!tpu.dma_semaphore, #tpu.memory_space<semaphore_mem>>
      %dma_start3A_241 = tpu.memref_slice %arg4[%add3A_4] : memref<204800xi32, #tpu.memory_space<hbm>> -> memref<800xi32, #tpu.memory_space<hbm>>
      %dma_start3A_242 = tpu.memref_slice %arg4[%add3A_4] : memref<204800xi32, #tpu.memory_space<hbm>> -> memref<800xi32, #tpu.memory_space<hbm>>
      tpu.enqueue_dma source(%dma_start3A_242 : memref<800xi32, #tpu.memory_space<hbm>>) target(%arg14 : memref<800xi32, #tpu.memory_space<vmem>>) target_semaphore(%run_scoped3A : memref<!tpu.dma_semaphore, #tpu.memory_space<semaphore_mem>>)
      %dma_wait3A_243 = tpu.memref_slice %arg4[%add3A_4] : memref<204800xi32, #tpu.memory_space<hbm>> -> memref<800xi32, #tpu.memory_space<hbm>>
      %dma_wait3A_244 = tpu.memref_slice %arg4[%add3A_4] : memref<204800xi32, #tpu.memory_space<hbm>> -> memref<800xi32, #tpu.memory_space<hbm>>
      tpu.wait_dma2 semaphore(%run_scoped3A : memref<!tpu.dma_semaphore, #tpu.memory_space<semaphore_mem>>) src(%dma_wait3A_244 : memref<800xi32, #tpu.memory_space<hbm>>) dst(%arg14 : memref<800xi32, #tpu.memory_space<vmem>>)
      tpu.yield
    }) : () -> ()
    "tpu.region"() ({
      %run_scoped3A = tpu.sem_alloc : memref<!tpu.dma_semaphore, #tpu.memory_space<semaphore_mem>>
      tpu.enqueue_dma source(%arg8 : memref<800x64xf32, #tpu.memory_space<hbm>>) target(%arg16 : memref<800x64xf32, #tpu.memory_space<vmem>>) target_semaphore(%run_scoped3A : memref<!tpu.dma_semaphore, #tpu.memory_space<semaphore_mem>>)
      tpu.wait_dma2 semaphore(%run_scoped3A : memref<!tpu.dma_semaphore, #tpu.memory_space<semaphore_mem>>) src(%arg8 : memref<800x64xf32, #tpu.memory_space<hbm>>) dst(%arg16 : memref<800x64xf32, #tpu.memory_space<vmem>>)
      tpu.yield
    }) : () -> ()
    %dma_start3A = arith.constant 0 : i32
    %dma_start3A_5 = arith.constant 0 : i32
    %dma_start3A_6 = tpu.memref_slice %arg5[%dma_start3A, %dma_start3A_5] : memref<100000x64xf32, #tpu.memory_space<hbm>> -> memref<100000x64xf32, #tpu.memory_space<hbm>>
    tpu.enqueue_indirect_dma source(%dma_start3A_6 : memref<100000x64xf32, #tpu.memory_space<hbm>>) target(%arg16 : memref<800x64xf32, #tpu.memory_space<vmem>>) offsets(%arg10 : memref<800xi32, #tpu.memory_space<vmem>>) semaphore(%arg18 : memref<!tpu.dma_semaphore, #tpu.memory_space<semaphore_mem>>) {add = true}
    %dma_start3A_7 = arith.constant 0 : i32
    %dma_start3A_8 = arith.constant 0 : i32
    %dma_start3A_9 = tpu.memref_slice %arg6[%dma_start3A_7, %dma_start3A_8] : memref<100000x64xf32, #tpu.memory_space<hbm>> -> memref<100000x64xf32, #tpu.memory_space<hbm>>
    tpu.enqueue_indirect_dma source(%dma_start3A_9 : memref<100000x64xf32, #tpu.memory_space<hbm>>) target(%arg16 : memref<800x64xf32, #tpu.memory_space<vmem>>) offsets(%arg12 : memref<800xi32, #tpu.memory_space<vmem>>) semaphore(%arg18 : memref<!tpu.dma_semaphore, #tpu.memory_space<semaphore_mem>>) {add = true}
    %dma_start3A_10 = arith.constant 0 : i32
    %dma_start3A_11 = arith.constant 0 : i32
    %dma_start3A_12 = tpu.memref_slice %arg7[%dma_start3A_10, %dma_start3A_11] : memref<100000x64xf32, #tpu.memory_space<hbm>> -> memref<100000x64xf32, #tpu.memory_space<hbm>>
    tpu.enqueue_indirect_dma source(%dma_start3A_12 : memref<100000x64xf32, #tpu.memory_space<hbm>>) target(%arg16 : memref<800x64xf32, #tpu.memory_space<vmem>>) offsets(%arg14 : memref<800xi32, #tpu.memory_space<vmem>>) semaphore(%arg18 : memref<!tpu.dma_semaphore, #tpu.memory_space<semaphore_mem>>) {add = true}
    %add3A_13 = arith.constant 800 : i32
    %add3A_14 = arith.addi %mul3A_2, %add3A_13 : i32
    "tpu.region"() ({
      %run_scoped3A = tpu.sem_alloc : memref<!tpu.dma_semaphore, #tpu.memory_space<semaphore_mem>>
      %dma_start3A_241 = tpu.memref_slice %arg2[%add3A_14] : memref<204800xi32, #tpu.memory_space<hbm>> -> memref<800xi32, #tpu.memory_space<hbm>>
      %dma_start3A_242 = tpu.memref_slice %arg2[%add3A_14] : memref<204800xi32, #tpu.memory_space<hbm>> -> memref<800xi32, #tpu.memory_space<hbm>>
      tpu.enqueue_dma source(%dma_start3A_242 : memref<800xi32, #tpu.memory_space<hbm>>) target(%arg11 : memref<800xi32, #tpu.memory_space<vmem>>) target_semaphore(%run_scoped3A : memref<!tpu.dma_semaphore, #tpu.memory_space<semaphore_mem>>)
      %dma_wait3A_243 = tpu.memref_slice %arg2[%add3A_14] : memref<204800xi32, #tpu.memory_space<hbm>> -> memref<800xi32, #tpu.memory_space<hbm>>
      %dma_wait3A_244 = tpu.memref_slice %arg2[%add3A_14] : memref<204800xi32, #tpu.memory_space<hbm>> -> memref<800xi32, #tpu.memory_space<hbm>>
      tpu.wait_dma2 semaphore(%run_scoped3A : memref<!tpu.dma_semaphore, #tpu.memory_space<semaphore_mem>>) src(%dma_wait3A_244 : memref<800xi32, #tpu.memory_space<hbm>>) dst(%arg11 : memref<800xi32, #tpu.memory_space<vmem>>)
      tpu.yield
    }) : () -> ()
    "tpu.region"() ({
      %run_scoped3A = tpu.sem_alloc : memref<!tpu.dma_semaphore, #tpu.memory_space<semaphore_mem>>
      %dma_start3A_241 = tpu.memref_slice %arg3[%add3A_14] : memref<204800xi32, #tpu.memory_space<hbm>> -> memref<800xi32, #tpu.memory_space<hbm>>
      %dma_start3A_242 = tpu.memref_slice %arg3[%add3A_14] : memref<204800xi32, #tpu.memory_space<hbm>> -> memref<800xi32, #tpu.memory_space<hbm>>
      tpu.enqueue_dma source(%dma_start3A_242 : memref<800xi32, #tpu.memory_space<hbm>>) target(%arg13 : memref<800xi32, #tpu.memory_space<vmem>>) target_semaphore(%run_scoped3A : memref<!tpu.dma_semaphore, #tpu.memory_space<semaphore_mem>>)
      %dma_wait3A_243 = tpu.memref_slice %arg3[%add3A_14] : memref<204800xi32, #tpu.memory_space<hbm>> -> memref<800xi32, #tpu.memory_space<hbm>>
      %dma_wait3A_244 = tpu.memref_slice %arg3[%add3A_14] : memref<204800xi32, #tpu.memory_space<hbm>> -> memref<800xi32, #tpu.memory_space<hbm>>
      tpu.wait_dma2 semaphore(%run_scoped3A : memref<!tpu.dma_semaphore, #tpu.memory_space<semaphore_mem>>) src(%dma_wait3A_244 : memref<800xi32, #tpu.memory_space<hbm>>) dst(%arg13 : memref<800xi32, #tpu.memory_space<vmem>>)
      tpu.yield
    }) : () -> ()
    "tpu.region"() ({
      %run_scoped3A = tpu.sem_alloc : memref<!tpu.dma_semaphore, #tpu.memory_space<semaphore_mem>>
      %dma_start3A_241 = tpu.memref_slice %arg4[%add3A_14] : memref<204800xi32, #tpu.memory_space<hbm>> -> memref<800xi32, #tpu.memory_space<hbm>>
      %dma_start3A_242 = tpu.memref_slice %arg4[%add3A_14] : memref<204800xi32, #tpu.memory_space<hbm>> -> memref<800xi32, #tpu.memory_space<hbm>>
      tpu.enqueue_dma source(%dma_start3A_242 : memref<800xi32, #tpu.memory_space<hbm>>) target(%arg15 : memref<800xi32, #tpu.memory_space<vmem>>) target_semaphore(%run_scoped3A : memref<!tpu.dma_semaphore, #tpu.memory_space<semaphore_mem>>)
      %dma_wait3A_243 = tpu.memref_slice %arg4[%add3A_14] : memref<204800xi32, #tpu.memory_space<hbm>> -> memref<800xi32, #tpu.memory_space<hbm>>
      %dma_wait3A_244 = tpu.memref_slice %arg4[%add3A_14] : memref<204800xi32, #tpu.memory_space<hbm>> -> memref<800xi32, #tpu.memory_space<hbm>>
      tpu.wait_dma2 semaphore(%run_scoped3A : memref<!tpu.dma_semaphore, #tpu.memory_space<semaphore_mem>>) src(%dma_wait3A_244 : memref<800xi32, #tpu.memory_space<hbm>>) dst(%arg15 : memref<800xi32, #tpu.memory_space<vmem>>)
      tpu.yield
    }) : () -> ()
    "tpu.region"() ({
      %run_scoped3A = tpu.sem_alloc : memref<!tpu.dma_semaphore, #tpu.memory_space<semaphore_mem>>
      tpu.enqueue_dma source(%arg8 : memref<800x64xf32, #tpu.memory_space<hbm>>) target(%arg17 : memref<800x64xf32, #tpu.memory_space<vmem>>) target_semaphore(%run_scoped3A : memref<!tpu.dma_semaphore, #tpu.memory_space<semaphore_mem>>)
      tpu.wait_dma2 semaphore(%run_scoped3A : memref<!tpu.dma_semaphore, #tpu.memory_space<semaphore_mem>>) src(%arg8 : memref<800x64xf32, #tpu.memory_space<hbm>>) dst(%arg17 : memref<800x64xf32, #tpu.memory_space<vmem>>)
      tpu.yield
    }) : () -> ()
    %dma_start3A_15 = arith.constant 0 : i32
    %dma_start3A_16 = arith.constant 0 : i32
    %dma_start3A_17 = tpu.memref_slice %arg5[%dma_start3A_15, %dma_start3A_16] : memref<100000x64xf32, #tpu.memory_space<hbm>> -> memref<100000x64xf32, #tpu.memory_space<hbm>>
    tpu.enqueue_indirect_dma source(%dma_start3A_17 : memref<100000x64xf32, #tpu.memory_space<hbm>>) target(%arg17 : memref<800x64xf32, #tpu.memory_space<vmem>>) offsets(%arg11 : memref<800xi32, #tpu.memory_space<vmem>>) semaphore(%arg19 : memref<!tpu.dma_semaphore, #tpu.memory_space<semaphore_mem>>) {add = true}
    %dma_start3A_18 = arith.constant 0 : i32
    %dma_start3A_19 = arith.constant 0 : i32
    %dma_start3A_20 = tpu.memref_slice %arg6[%dma_start3A_18, %dma_start3A_19] : memref<100000x64xf32, #tpu.memory_space<hbm>> -> memref<100000x64xf32, #tpu.memory_space<hbm>>
    tpu.enqueue_indirect_dma source(%dma_start3A_20 : memref<100000x64xf32, #tpu.memory_space<hbm>>) target(%arg17 : memref<800x64xf32, #tpu.memory_space<vmem>>) offsets(%arg13 : memref<800xi32, #tpu.memory_space<vmem>>) semaphore(%arg19 : memref<!tpu.dma_semaphore, #tpu.memory_space<semaphore_mem>>) {add = true}
    %dma_start3A_21 = arith.constant 0 : i32
    %dma_start3A_22 = arith.constant 0 : i32
    %dma_start3A_23 = tpu.memref_slice %arg7[%dma_start3A_21, %dma_start3A_22] : memref<100000x64xf32, #tpu.memory_space<hbm>> -> memref<100000x64xf32, #tpu.memory_space<hbm>>
    tpu.enqueue_indirect_dma source(%dma_start3A_23 : memref<100000x64xf32, #tpu.memory_space<hbm>>) target(%arg17 : memref<800x64xf32, #tpu.memory_space<vmem>>) offsets(%arg15 : memref<800xi32, #tpu.memory_space<vmem>>) semaphore(%arg19 : memref<!tpu.dma_semaphore, #tpu.memory_space<semaphore_mem>>) {add = true}
    %dma_wait3A = arith.constant 0 : i32
    %dma_wait3A_24 = arith.constant 0 : i32
    %dma_wait3A_25 = tpu.memref_slice %arg5[%dma_wait3A, %dma_wait3A_24] : memref<100000x64xf32, #tpu.memory_space<hbm>> -> memref<100000x64xf32, #tpu.memory_space<hbm>>
    tpu.wait_indirect_dma semaphore(%arg18 : memref<!tpu.dma_semaphore, #tpu.memory_space<semaphore_mem>>) src(%dma_wait3A_25 : memref<100000x64xf32, #tpu.memory_space<hbm>>) dst(%arg16 : memref<800x64xf32, #tpu.memory_space<vmem>>)
    %dma_wait3A_26 = arith.constant 0 : i32
    %dma_wait3A_27 = arith.constant 0 : i32
    %dma_wait3A_28 = tpu.memref_slice %arg6[%dma_wait3A_26, %dma_wait3A_27] : memref<100000x64xf32, #tpu.memory_space<hbm>> -> memref<100000x64xf32, #tpu.memory_space<hbm>>
    tpu.wait_indirect_dma semaphore(%arg18 : memref<!tpu.dma_semaphore, #tpu.memory_space<semaphore_mem>>) src(%dma_wait3A_28 : memref<100000x64xf32, #tpu.memory_space<hbm>>) dst(%arg16 : memref<800x64xf32, #tpu.memory_space<vmem>>)
    %dma_wait3A_29 = arith.constant 0 : i32
    %dma_wait3A_30 = arith.constant 0 : i32
    %dma_wait3A_31 = tpu.memref_slice %arg7[%dma_wait3A_29, %dma_wait3A_30] : memref<100000x64xf32, #tpu.memory_space<hbm>> -> memref<100000x64xf32, #tpu.memory_space<hbm>>
    tpu.wait_indirect_dma semaphore(%arg18 : memref<!tpu.dma_semaphore, #tpu.memory_space<semaphore_mem>>) src(%dma_wait3A_31 : memref<100000x64xf32, #tpu.memory_space<hbm>>) dst(%arg16 : memref<800x64xf32, #tpu.memory_space<vmem>>)
    %add3A_32 = arith.constant 0 : i32
    %add3A_33 = arith.addi %mul3A_2, %add3A_32 : i32
    %dma_start3A_34 = arith.constant 0 : i32
    %dma_start3A_35 = tpu.memref_slice %arg9[%add3A_33, %dma_start3A_34] : memref<204800x64xf32, #tpu.memory_space<hbm>> -> memref<800x64xf32, #tpu.memory_space<hbm>>
    %dma_start3A_36 = arith.constant 0 : i32
    %dma_start3A_37 = tpu.memref_slice %arg9[%add3A_33, %dma_start3A_36] : memref<204800x64xf32, #tpu.memory_space<hbm>> -> memref<800x64xf32, #tpu.memory_space<hbm>>
    tpu.enqueue_dma source(%arg16 : memref<800x64xf32, #tpu.memory_space<vmem>>) target(%dma_start3A_37 : memref<800x64xf32, #tpu.memory_space<hbm>>) target_semaphore(%arg20 : memref<!tpu.dma_semaphore, #tpu.memory_space<semaphore_mem>>)
    %dma_wait3A_38 = arith.constant 0 : i32
    %dma_wait3A_39 = tpu.memref_slice %arg9[%add3A_33, %dma_wait3A_38] : memref<204800x64xf32, #tpu.memory_space<hbm>> -> memref<800x64xf32, #tpu.memory_space<hbm>>
    %dma_wait3A_40 = arith.constant 0 : i32
    %dma_wait3A_41 = tpu.memref_slice %arg9[%add3A_33, %dma_wait3A_40] : memref<204800x64xf32, #tpu.memory_space<hbm>> -> memref<800x64xf32, #tpu.memory_space<hbm>>
    tpu.wait_dma2 semaphore(%arg20 : memref<!tpu.dma_semaphore, #tpu.memory_space<semaphore_mem>>) src(%arg16 : memref<800x64xf32, #tpu.memory_space<vmem>>) dst(%dma_wait3A_41 : memref<800x64xf32, #tpu.memory_space<hbm>>)
    %add3A_42 = arith.constant 1600 : i32
    %add3A_43 = arith.addi %mul3A_2, %add3A_42 : i32
    "tpu.region"() ({
      %run_scoped3A = tpu.sem_alloc : memref<!tpu.dma_semaphore, #tpu.memory_space<semaphore_mem>>
      %dma_start3A_241 = tpu.memref_slice %arg2[%add3A_43] : memref<204800xi32, #tpu.memory_space<hbm>> -> memref<800xi32, #tpu.memory_space<hbm>>
      %dma_start3A_242 = tpu.memref_slice %arg2[%add3A_43] : memref<204800xi32, #tpu.memory_space<hbm>> -> memref<800xi32, #tpu.memory_space<hbm>>
      tpu.enqueue_dma source(%dma_start3A_242 : memref<800xi32, #tpu.memory_space<hbm>>) target(%arg10 : memref<800xi32, #tpu.memory_space<vmem>>) target_semaphore(%run_scoped3A : memref<!tpu.dma_semaphore, #tpu.memory_space<semaphore_mem>>)
      %dma_wait3A_243 = tpu.memref_slice %arg2[%add3A_43] : memref<204800xi32, #tpu.memory_space<hbm>> -> memref<800xi32, #tpu.memory_space<hbm>>
      %dma_wait3A_244 = tpu.memref_slice %arg2[%add3A_43] : memref<204800xi32, #tpu.memory_space<hbm>> -> memref<800xi32, #tpu.memory_space<hbm>>
      tpu.wait_dma2 semaphore(%run_scoped3A : memref<!tpu.dma_semaphore, #tpu.memory_space<semaphore_mem>>) src(%dma_wait3A_244 : memref<800xi32, #tpu.memory_space<hbm>>) dst(%arg10 : memref<800xi32, #tpu.memory_space<vmem>>)
      tpu.yield
    }) : () -> ()
    "tpu.region"() ({
      %run_scoped3A = tpu.sem_alloc : memref<!tpu.dma_semaphore, #tpu.memory_space<semaphore_mem>>
      %dma_start3A_241 = tpu.memref_slice %arg3[%add3A_43] : memref<204800xi32, #tpu.memory_space<hbm>> -> memref<800xi32, #tpu.memory_space<hbm>>
      %dma_start3A_242 = tpu.memref_slice %arg3[%add3A_43] : memref<204800xi32, #tpu.memory_space<hbm>> -> memref<800xi32, #tpu.memory_space<hbm>>
      tpu.enqueue_dma source(%dma_start3A_242 : memref<800xi32, #tpu.memory_space<hbm>>) target(%arg12 : memref<800xi32, #tpu.memory_space<vmem>>) target_semaphore(%run_scoped3A : memref<!tpu.dma_semaphore, #tpu.memory_space<semaphore_mem>>)
      %dma_wait3A_243 = tpu.memref_slice %arg3[%add3A_43] : memref<204800xi32, #tpu.memory_space<hbm>> -> memref<800xi32, #tpu.memory_space<hbm>>
      %dma_wait3A_244 = tpu.memref_slice %arg3[%add3A_43] : memref<204800xi32, #tpu.memory_space<hbm>> -> memref<800xi32, #tpu.memory_space<hbm>>
      tpu.wait_dma2 semaphore(%run_scoped3A : memref<!tpu.dma_semaphore, #tpu.memory_space<semaphore_mem>>) src(%dma_wait3A_244 : memref<800xi32, #tpu.memory_space<hbm>>) dst(%arg12 : memref<800xi32, #tpu.memory_space<vmem>>)
      tpu.yield
    }) : () -> ()
    "tpu.region"() ({
      %run_scoped3A = tpu.sem_alloc : memref<!tpu.dma_semaphore, #tpu.memory_space<semaphore_mem>>
      %dma_start3A_241 = tpu.memref_slice %arg4[%add3A_43] : memref<204800xi32, #tpu.memory_space<hbm>> -> memref<800xi32, #tpu.memory_space<hbm>>
      %dma_start3A_242 = tpu.memref_slice %arg4[%add3A_43] : memref<204800xi32, #tpu.memory_space<hbm>> -> memref<800xi32, #tpu.memory_space<hbm>>
      tpu.enqueue_dma source(%dma_start3A_242 : memref<800xi32, #tpu.memory_space<hbm>>) target(%arg14 : memref<800xi32, #tpu.memory_space<vmem>>) target_semaphore(%run_scoped3A : memref<!tpu.dma_semaphore, #tpu.memory_space<semaphore_mem>>)
      %dma_wait3A_243 = tpu.memref_slice %arg4[%add3A_43] : memref<204800xi32, #tpu.memory_space<hbm>> -> memref<800xi32, #tpu.memory_space<hbm>>
      %dma_wait3A_244 = tpu.memref_slice %arg4[%add3A_43] : memref<204800xi32, #tpu.memory_space<hbm>> -> memref<800xi32, #tpu.memory_space<hbm>>
      tpu.wait_dma2 semaphore(%run_scoped3A : memref<!tpu.dma_semaphore, #tpu.memory_space<semaphore_mem>>) src(%dma_wait3A_244 : memref<800xi32, #tpu.memory_space<hbm>>) dst(%arg14 : memref<800xi32, #tpu.memory_space<vmem>>)
      tpu.yield
    }) : () -> ()
    "tpu.region"() ({
      %run_scoped3A = tpu.sem_alloc : memref<!tpu.dma_semaphore, #tpu.memory_space<semaphore_mem>>
      tpu.enqueue_dma source(%arg8 : memref<800x64xf32, #tpu.memory_space<hbm>>) target(%arg16 : memref<800x64xf32, #tpu.memory_space<vmem>>) target_semaphore(%run_scoped3A : memref<!tpu.dma_semaphore, #tpu.memory_space<semaphore_mem>>)
      tpu.wait_dma2 semaphore(%run_scoped3A : memref<!tpu.dma_semaphore, #tpu.memory_space<semaphore_mem>>) src(%arg8 : memref<800x64xf32, #tpu.memory_space<hbm>>) dst(%arg16 : memref<800x64xf32, #tpu.memory_space<vmem>>)
      tpu.yield
    }) : () -> ()
    %dma_start3A_44 = arith.constant 0 : i32
    %dma_start3A_45 = arith.constant 0 : i32
    %dma_start3A_46 = tpu.memref_slice %arg5[%dma_start3A_44, %dma_start3A_45] : memref<100000x64xf32, #tpu.memory_space<hbm>> -> memref<100000x64xf32, #tpu.memory_space<hbm>>
    tpu.enqueue_indirect_dma source(%dma_start3A_46 : memref<100000x64xf32, #tpu.memory_space<hbm>>) target(%arg16 : memref<800x64xf32, #tpu.memory_space<vmem>>) offsets(%arg10 : memref<800xi32, #tpu.memory_space<vmem>>) semaphore(%arg18 : memref<!tpu.dma_semaphore, #tpu.memory_space<semaphore_mem>>) {add = true}
    %dma_start3A_47 = arith.constant 0 : i32
    %dma_start3A_48 = arith.constant 0 : i32
    %dma_start3A_49 = tpu.memref_slice %arg6[%dma_start3A_47, %dma_start3A_48] : memref<100000x64xf32, #tpu.memory_space<hbm>> -> memref<100000x64xf32, #tpu.memory_space<hbm>>
    tpu.enqueue_indirect_dma source(%dma_start3A_49 : memref<100000x64xf32, #tpu.memory_space<hbm>>) target(%arg16 : memref<800x64xf32, #tpu.memory_space<vmem>>) offsets(%arg12 : memref<800xi32, #tpu.memory_space<vmem>>) semaphore(%arg18 : memref<!tpu.dma_semaphore, #tpu.memory_space<semaphore_mem>>) {add = true}
    %dma_start3A_50 = arith.constant 0 : i32
    %dma_start3A_51 = arith.constant 0 : i32
    %dma_start3A_52 = tpu.memref_slice %arg7[%dma_start3A_50, %dma_start3A_51] : memref<100000x64xf32, #tpu.memory_space<hbm>> -> memref<100000x64xf32, #tpu.memory_space<hbm>>
    tpu.enqueue_indirect_dma source(%dma_start3A_52 : memref<100000x64xf32, #tpu.memory_space<hbm>>) target(%arg16 : memref<800x64xf32, #tpu.memory_space<vmem>>) offsets(%arg14 : memref<800xi32, #tpu.memory_space<vmem>>) semaphore(%arg18 : memref<!tpu.dma_semaphore, #tpu.memory_space<semaphore_mem>>) {add = true}
    %dma_wait3A_53 = arith.constant 0 : i32
    %dma_wait3A_54 = arith.constant 0 : i32
    %dma_wait3A_55 = tpu.memref_slice %arg5[%dma_wait3A_53, %dma_wait3A_54] : memref<100000x64xf32, #tpu.memory_space<hbm>> -> memref<100000x64xf32, #tpu.memory_space<hbm>>
    tpu.wait_indirect_dma semaphore(%arg19 : memref<!tpu.dma_semaphore, #tpu.memory_space<semaphore_mem>>) src(%dma_wait3A_55 : memref<100000x64xf32, #tpu.memory_space<hbm>>) dst(%arg17 : memref<800x64xf32, #tpu.memory_space<vmem>>)
    %dma_wait3A_56 = arith.constant 0 : i32
    %dma_wait3A_57 = arith.constant 0 : i32
    %dma_wait3A_58 = tpu.memref_slice %arg6[%dma_wait3A_56, %dma_wait3A_57] : memref<100000x64xf32, #tpu.memory_space<hbm>> -> memref<100000x64xf32, #tpu.memory_space<hbm>>
    tpu.wait_indirect_dma semaphore(%arg19 : memref<!tpu.dma_semaphore, #tpu.memory_space<semaphore_mem>>) src(%dma_wait3A_58 : memref<100000x64xf32, #tpu.memory_space<hbm>>) dst(%arg17 : memref<800x64xf32, #tpu.memory_space<vmem>>)
    %dma_wait3A_59 = arith.constant 0 : i32
    %dma_wait3A_60 = arith.constant 0 : i32
    %dma_wait3A_61 = tpu.memref_slice %arg7[%dma_wait3A_59, %dma_wait3A_60] : memref<100000x64xf32, #tpu.memory_space<hbm>> -> memref<100000x64xf32, #tpu.memory_space<hbm>>
    tpu.wait_indirect_dma semaphore(%arg19 : memref<!tpu.dma_semaphore, #tpu.memory_space<semaphore_mem>>) src(%dma_wait3A_61 : memref<100000x64xf32, #tpu.memory_space<hbm>>) dst(%arg17 : memref<800x64xf32, #tpu.memory_space<vmem>>)
    %add3A_62 = arith.constant 800 : i32
    %add3A_63 = arith.addi %mul3A_2, %add3A_62 : i32
    %dma_start3A_64 = arith.constant 0 : i32
    %dma_start3A_65 = tpu.memref_slice %arg9[%add3A_63, %dma_start3A_64] : memref<204800x64xf32, #tpu.memory_space<hbm>> -> memref<800x64xf32, #tpu.memory_space<hbm>>
    %dma_start3A_66 = arith.constant 0 : i32
    %dma_start3A_67 = tpu.memref_slice %arg9[%add3A_63, %dma_start3A_66] : memref<204800x64xf32, #tpu.memory_space<hbm>> -> memref<800x64xf32, #tpu.memory_space<hbm>>
    tpu.enqueue_dma source(%arg17 : memref<800x64xf32, #tpu.memory_space<vmem>>) target(%dma_start3A_67 : memref<800x64xf32, #tpu.memory_space<hbm>>) target_semaphore(%arg21 : memref<!tpu.dma_semaphore, #tpu.memory_space<semaphore_mem>>)
    %dma_wait3A_68 = arith.constant 0 : i32
    %dma_wait3A_69 = tpu.memref_slice %arg9[%add3A_63, %dma_wait3A_68] : memref<204800x64xf32, #tpu.memory_space<hbm>> -> memref<800x64xf32, #tpu.memory_space<hbm>>
    %dma_wait3A_70 = arith.constant 0 : i32
    %dma_wait3A_71 = tpu.memref_slice %arg9[%add3A_63, %dma_wait3A_70] : memref<204800x64xf32, #tpu.memory_space<hbm>> -> memref<800x64xf32, #tpu.memory_space<hbm>>
    tpu.wait_dma2 semaphore(%arg21 : memref<!tpu.dma_semaphore, #tpu.memory_space<semaphore_mem>>) src(%arg17 : memref<800x64xf32, #tpu.memory_space<vmem>>) dst(%dma_wait3A_71 : memref<800x64xf32, #tpu.memory_space<hbm>>)
    %add3A_72 = arith.constant 2400 : i32
    %add3A_73 = arith.addi %mul3A_2, %add3A_72 : i32
    "tpu.region"() ({
      %run_scoped3A = tpu.sem_alloc : memref<!tpu.dma_semaphore, #tpu.memory_space<semaphore_mem>>
      %dma_start3A_241 = tpu.memref_slice %arg2[%add3A_73] : memref<204800xi32, #tpu.memory_space<hbm>> -> memref<800xi32, #tpu.memory_space<hbm>>
      %dma_start3A_242 = tpu.memref_slice %arg2[%add3A_73] : memref<204800xi32, #tpu.memory_space<hbm>> -> memref<800xi32, #tpu.memory_space<hbm>>
      tpu.enqueue_dma source(%dma_start3A_242 : memref<800xi32, #tpu.memory_space<hbm>>) target(%arg11 : memref<800xi32, #tpu.memory_space<vmem>>) target_semaphore(%run_scoped3A : memref<!tpu.dma_semaphore, #tpu.memory_space<semaphore_mem>>)
      %dma_wait3A_243 = tpu.memref_slice %arg2[%add3A_73] : memref<204800xi32, #tpu.memory_space<hbm>> -> memref<800xi32, #tpu.memory_space<hbm>>
      %dma_wait3A_244 = tpu.memref_slice %arg2[%add3A_73] : memref<204800xi32, #tpu.memory_space<hbm>> -> memref<800xi32, #tpu.memory_space<hbm>>
      tpu.wait_dma2 semaphore(%run_scoped3A : memref<!tpu.dma_semaphore, #tpu.memory_space<semaphore_mem>>) src(%dma_wait3A_244 : memref<800xi32, #tpu.memory_space<hbm>>) dst(%arg11 : memref<800xi32, #tpu.memory_space<vmem>>)
      tpu.yield
    }) : () -> ()
    "tpu.region"() ({
      %run_scoped3A = tpu.sem_alloc : memref<!tpu.dma_semaphore, #tpu.memory_space<semaphore_mem>>
      %dma_start3A_241 = tpu.memref_slice %arg3[%add3A_73] : memref<204800xi32, #tpu.memory_space<hbm>> -> memref<800xi32, #tpu.memory_space<hbm>>
      %dma_start3A_242 = tpu.memref_slice %arg3[%add3A_73] : memref<204800xi32, #tpu.memory_space<hbm>> -> memref<800xi32, #tpu.memory_space<hbm>>
      tpu.enqueue_dma source(%dma_start3A_242 : memref<800xi32, #tpu.memory_space<hbm>>) target(%arg13 : memref<800xi32, #tpu.memory_space<vmem>>) target_semaphore(%run_scoped3A : memref<!tpu.dma_semaphore, #tpu.memory_space<semaphore_mem>>)
      %dma_wait3A_243 = tpu.memref_slice %arg3[%add3A_73] : memref<204800xi32, #tpu.memory_space<hbm>> -> memref<800xi32, #tpu.memory_space<hbm>>
      %dma_wait3A_244 = tpu.memref_slice %arg3[%add3A_73] : memref<204800xi32, #tpu.memory_space<hbm>> -> memref<800xi32, #tpu.memory_space<hbm>>
      tpu.wait_dma2 semaphore(%run_scoped3A : memref<!tpu.dma_semaphore, #tpu.memory_space<semaphore_mem>>) src(%dma_wait3A_244 : memref<800xi32, #tpu.memory_space<hbm>>) dst(%arg13 : memref<800xi32, #tpu.memory_space<vmem>>)
      tpu.yield
    }) : () -> ()
    "tpu.region"() ({
      %run_scoped3A = tpu.sem_alloc : memref<!tpu.dma_semaphore, #tpu.memory_space<semaphore_mem>>
      %dma_start3A_241 = tpu.memref_slice %arg4[%add3A_73] : memref<204800xi32, #tpu.memory_space<hbm>> -> memref<800xi32, #tpu.memory_space<hbm>>
      %dma_start3A_242 = tpu.memref_slice %arg4[%add3A_73] : memref<204800xi32, #tpu.memory_space<hbm>> -> memref<800xi32, #tpu.memory_space<hbm>>
      tpu.enqueue_dma source(%dma_start3A_242 : memref<800xi32, #tpu.memory_space<hbm>>) target(%arg15 : memref<800xi32, #tpu.memory_space<vmem>>) target_semaphore(%run_scoped3A : memref<!tpu.dma_semaphore, #tpu.memory_space<semaphore_mem>>)
      %dma_wait3A_243 = tpu.memref_slice %arg4[%add3A_73] : memref<204800xi32, #tpu.memory_space<hbm>> -> memref<800xi32, #tpu.memory_space<hbm>>
      %dma_wait3A_244 = tpu.memref_slice %arg4[%add3A_73] : memref<204800xi32, #tpu.memory_space<hbm>> -> memref<800xi32, #tpu.memory_space<hbm>>
      tpu.wait_dma2 semaphore(%run_scoped3A : memref<!tpu.dma_semaphore, #tpu.memory_space<semaphore_mem>>) src(%dma_wait3A_244 : memref<800xi32, #tpu.memory_space<hbm>>) dst(%arg15 : memref<800xi32, #tpu.memory_space<vmem>>)
      tpu.yield
    }) : () -> ()
    "tpu.region"() ({
      %run_scoped3A = tpu.sem_alloc : memref<!tpu.dma_semaphore, #tpu.memory_space<semaphore_mem>>
      tpu.enqueue_dma source(%arg8 : memref<800x64xf32, #tpu.memory_space<hbm>>) target(%arg17 : memref<800x64xf32, #tpu.memory_space<vmem>>) target_semaphore(%run_scoped3A : memref<!tpu.dma_semaphore, #tpu.memory_space<semaphore_mem>>)
      tpu.wait_dma2 semaphore(%run_scoped3A : memref<!tpu.dma_semaphore, #tpu.memory_space<semaphore_mem>>) src(%arg8 : memref<800x64xf32, #tpu.memory_space<hbm>>) dst(%arg17 : memref<800x64xf32, #tpu.memory_space<vmem>>)
      tpu.yield
    }) : () -> ()
    %dma_start3A_74 = arith.constant 0 : i32
    %dma_start3A_75 = arith.constant 0 : i32
    %dma_start3A_76 = tpu.memref_slice %arg5[%dma_start3A_74, %dma_start3A_75] : memref<100000x64xf32, #tpu.memory_space<hbm>> -> memref<100000x64xf32, #tpu.memory_space<hbm>>
    tpu.enqueue_indirect_dma source(%dma_start3A_76 : memref<100000x64xf32, #tpu.memory_space<hbm>>) target(%arg17 : memref<800x64xf32, #tpu.memory_space<vmem>>) offsets(%arg11 : memref<800xi32, #tpu.memory_space<vmem>>) semaphore(%arg19 : memref<!tpu.dma_semaphore, #tpu.memory_space<semaphore_mem>>) {add = true}
    %dma_start3A_77 = arith.constant 0 : i32
    %dma_start3A_78 = arith.constant 0 : i32
    %dma_start3A_79 = tpu.memref_slice %arg6[%dma_start3A_77, %dma_start3A_78] : memref<100000x64xf32, #tpu.memory_space<hbm>> -> memref<100000x64xf32, #tpu.memory_space<hbm>>
    tpu.enqueue_indirect_dma source(%dma_start3A_79 : memref<100000x64xf32, #tpu.memory_space<hbm>>) target(%arg17 : memref<800x64xf32, #tpu.memory_space<vmem>>) offsets(%arg13 : memref<800xi32, #tpu.memory_space<vmem>>) semaphore(%arg19 : memref<!tpu.dma_semaphore, #tpu.memory_space<semaphore_mem>>) {add = true}
    %dma_start3A_80 = arith.constant 0 : i32
    %dma_start3A_81 = arith.constant 0 : i32
    %dma_start3A_82 = tpu.memref_slice %arg7[%dma_start3A_80, %dma_start3A_81] : memref<100000x64xf32, #tpu.memory_space<hbm>> -> memref<100000x64xf32, #tpu.memory_space<hbm>>
    tpu.enqueue_indirect_dma source(%dma_start3A_82 : memref<100000x64xf32, #tpu.memory_space<hbm>>) target(%arg17 : memref<800x64xf32, #tpu.memory_space<vmem>>) offsets(%arg15 : memref<800xi32, #tpu.memory_space<vmem>>) semaphore(%arg19 : memref<!tpu.dma_semaphore, #tpu.memory_space<semaphore_mem>>) {add = true}
    %dma_wait3A_83 = arith.constant 0 : i32
    %dma_wait3A_84 = arith.constant 0 : i32
    %dma_wait3A_85 = tpu.memref_slice %arg5[%dma_wait3A_83, %dma_wait3A_84] : memref<100000x64xf32, #tpu.memory_space<hbm>> -> memref<100000x64xf32, #tpu.memory_space<hbm>>
    tpu.wait_indirect_dma semaphore(%arg18 : memref<!tpu.dma_semaphore, #tpu.memory_space<semaphore_mem>>) src(%dma_wait3A_85 : memref<100000x64xf32, #tpu.memory_space<hbm>>) dst(%arg16 : memref<800x64xf32, #tpu.memory_space<vmem>>)
    %dma_wait3A_86 = arith.constant 0 : i32
    %dma_wait3A_87 = arith.constant 0 : i32
    %dma_wait3A_88 = tpu.memref_slice %arg6[%dma_wait3A_86, %dma_wait3A_87] : memref<100000x64xf32, #tpu.memory_space<hbm>> -> memref<100000x64xf32, #tpu.memory_space<hbm>>
    tpu.wait_indirect_dma semaphore(%arg18 : memref<!tpu.dma_semaphore, #tpu.memory_space<semaphore_mem>>) src(%dma_wait3A_88 : memref<100000x64xf32, #tpu.memory_space<hbm>>) dst(%arg16 : memref<800x64xf32, #tpu.memory_space<vmem>>)
    %dma_wait3A_89 = arith.constant 0 : i32
    %dma_wait3A_90 = arith.constant 0 : i32
    %dma_wait3A_91 = tpu.memref_slice %arg7[%dma_wait3A_89, %dma_wait3A_90] : memref<100000x64xf32, #tpu.memory_space<hbm>> -> memref<100000x64xf32, #tpu.memory_space<hbm>>
    tpu.wait_indirect_dma semaphore(%arg18 : memref<!tpu.dma_semaphore, #tpu.memory_space<semaphore_mem>>) src(%dma_wait3A_91 : memref<100000x64xf32, #tpu.memory_space<hbm>>) dst(%arg16 : memref<800x64xf32, #tpu.memory_space<vmem>>)
    %add3A_92 = arith.constant 1600 : i32
    %add3A_93 = arith.addi %mul3A_2, %add3A_92 : i32
    %dma_start3A_94 = arith.constant 0 : i32
    %dma_start3A_95 = tpu.memref_slice %arg9[%add3A_93, %dma_start3A_94] : memref<204800x64xf32, #tpu.memory_space<hbm>> -> memref<800x64xf32, #tpu.memory_space<hbm>>
    %dma_start3A_96 = arith.constant 0 : i32
    %dma_start3A_97 = tpu.memref_slice %arg9[%add3A_93, %dma_start3A_96] : memref<204800x64xf32, #tpu.memory_space<hbm>> -> memref<800x64xf32, #tpu.memory_space<hbm>>
    tpu.enqueue_dma source(%arg16 : memref<800x64xf32, #tpu.memory_space<vmem>>) target(%dma_start3A_97 : memref<800x64xf32, #tpu.memory_space<hbm>>) target_semaphore(%arg20 : memref<!tpu.dma_semaphore, #tpu.memory_space<semaphore_mem>>)
    %dma_wait3A_98 = arith.constant 0 : i32
    %dma_wait3A_99 = tpu.memref_slice %arg9[%add3A_93, %dma_wait3A_98] : memref<204800x64xf32, #tpu.memory_space<hbm>> -> memref<800x64xf32, #tpu.memory_space<hbm>>
    %dma_wait3A_100 = arith.constant 0 : i32
    %dma_wait3A_101 = tpu.memref_slice %arg9[%add3A_93, %dma_wait3A_100] : memref<204800x64xf32, #tpu.memory_space<hbm>> -> memref<800x64xf32, #tpu.memory_space<hbm>>
    tpu.wait_dma2 semaphore(%arg20 : memref<!tpu.dma_semaphore, #tpu.memory_space<semaphore_mem>>) src(%arg16 : memref<800x64xf32, #tpu.memory_space<vmem>>) dst(%dma_wait3A_101 : memref<800x64xf32, #tpu.memory_space<hbm>>)
    %add3A_102 = arith.constant 3200 : i32
    %add3A_103 = arith.addi %mul3A_2, %add3A_102 : i32
    "tpu.region"() ({
      %run_scoped3A = tpu.sem_alloc : memref<!tpu.dma_semaphore, #tpu.memory_space<semaphore_mem>>
      %dma_start3A_241 = tpu.memref_slice %arg2[%add3A_103] : memref<204800xi32, #tpu.memory_space<hbm>> -> memref<800xi32, #tpu.memory_space<hbm>>
      %dma_start3A_242 = tpu.memref_slice %arg2[%add3A_103] : memref<204800xi32, #tpu.memory_space<hbm>> -> memref<800xi32, #tpu.memory_space<hbm>>
      tpu.enqueue_dma source(%dma_start3A_242 : memref<800xi32, #tpu.memory_space<hbm>>) target(%arg10 : memref<800xi32, #tpu.memory_space<vmem>>) target_semaphore(%run_scoped3A : memref<!tpu.dma_semaphore, #tpu.memory_space<semaphore_mem>>)
      %dma_wait3A_243 = tpu.memref_slice %arg2[%add3A_103] : memref<204800xi32, #tpu.memory_space<hbm>> -> memref<800xi32, #tpu.memory_space<hbm>>
      %dma_wait3A_244 = tpu.memref_slice %arg2[%add3A_103] : memref<204800xi32, #tpu.memory_space<hbm>> -> memref<800xi32, #tpu.memory_space<hbm>>
      tpu.wait_dma2 semaphore(%run_scoped3A : memref<!tpu.dma_semaphore, #tpu.memory_space<semaphore_mem>>) src(%dma_wait3A_244 : memref<800xi32, #tpu.memory_space<hbm>>) dst(%arg10 : memref<800xi32, #tpu.memory_space<vmem>>)
      tpu.yield
    }) : () -> ()
    "tpu.region"() ({
      %run_scoped3A = tpu.sem_alloc : memref<!tpu.dma_semaphore, #tpu.memory_space<semaphore_mem>>
      %dma_start3A_241 = tpu.memref_slice %arg3[%add3A_103] : memref<204800xi32, #tpu.memory_space<hbm>> -> memref<800xi32, #tpu.memory_space<hbm>>
      %dma_start3A_242 = tpu.memref_slice %arg3[%add3A_103] : memref<204800xi32, #tpu.memory_space<hbm>> -> memref<800xi32, #tpu.memory_space<hbm>>
      tpu.enqueue_dma source(%dma_start3A_242 : memref<800xi32, #tpu.memory_space<hbm>>) target(%arg12 : memref<800xi32, #tpu.memory_space<vmem>>) target_semaphore(%run_scoped3A : memref<!tpu.dma_semaphore, #tpu.memory_space<semaphore_mem>>)
      %dma_wait3A_243 = tpu.memref_slice %arg3[%add3A_103] : memref<204800xi32, #tpu.memory_space<hbm>> -> memref<800xi32, #tpu.memory_space<hbm>>
      %dma_wait3A_244 = tpu.memref_slice %arg3[%add3A_103] : memref<204800xi32, #tpu.memory_space<hbm>> -> memref<800xi32, #tpu.memory_space<hbm>>
      tpu.wait_dma2 semaphore(%run_scoped3A : memref<!tpu.dma_semaphore, #tpu.memory_space<semaphore_mem>>) src(%dma_wait3A_244 : memref<800xi32, #tpu.memory_space<hbm>>) dst(%arg12 : memref<800xi32, #tpu.memory_space<vmem>>)
      tpu.yield
    }) : () -> ()
    "tpu.region"() ({
      %run_scoped3A = tpu.sem_alloc : memref<!tpu.dma_semaphore, #tpu.memory_space<semaphore_mem>>
      %dma_start3A_241 = tpu.memref_slice %arg4[%add3A_103] : memref<204800xi32, #tpu.memory_space<hbm>> -> memref<800xi32, #tpu.memory_space<hbm>>
      %dma_start3A_242 = tpu.memref_slice %arg4[%add3A_103] : memref<204800xi32, #tpu.memory_space<hbm>> -> memref<800xi32, #tpu.memory_space<hbm>>
      tpu.enqueue_dma source(%dma_start3A_242 : memref<800xi32, #tpu.memory_space<hbm>>) target(%arg14 : memref<800xi32, #tpu.memory_space<vmem>>) target_semaphore(%run_scoped3A : memref<!tpu.dma_semaphore, #tpu.memory_space<semaphore_mem>>)
      %dma_wait3A_243 = tpu.memref_slice %arg4[%add3A_103] : memref<204800xi32, #tpu.memory_space<hbm>> -> memref<800xi32, #tpu.memory_space<hbm>>
      %dma_wait3A_244 = tpu.memref_slice %arg4[%add3A_103] : memref<204800xi32, #tpu.memory_space<hbm>> -> memref<800xi32, #tpu.memory_space<hbm>>
      tpu.wait_dma2 semaphore(%run_scoped3A : memref<!tpu.dma_semaphore, #tpu.memory_space<semaphore_mem>>) src(%dma_wait3A_244 : memref<800xi32, #tpu.memory_space<hbm>>) dst(%arg14 : memref<800xi32, #tpu.memory_space<vmem>>)
      tpu.yield
    }) : () -> ()
    "tpu.region"() ({
      %run_scoped3A = tpu.sem_alloc : memref<!tpu.dma_semaphore, #tpu.memory_space<semaphore_mem>>
      tpu.enqueue_dma source(%arg8 : memref<800x64xf32, #tpu.memory_space<hbm>>) target(%arg16 : memref<800x64xf32, #tpu.memory_space<vmem>>) target_semaphore(%run_scoped3A : memref<!tpu.dma_semaphore, #tpu.memory_space<semaphore_mem>>)
      tpu.wait_dma2 semaphore(%run_scoped3A : memref<!tpu.dma_semaphore, #tpu.memory_space<semaphore_mem>>) src(%arg8 : memref<800x64xf32, #tpu.memory_space<hbm>>) dst(%arg16 : memref<800x64xf32, #tpu.memory_space<vmem>>)
      tpu.yield
    }) : () -> ()
    %dma_start3A_104 = arith.constant 0 : i32
    %dma_start3A_105 = arith.constant 0 : i32
    %dma_start3A_106 = tpu.memref_slice %arg5[%dma_start3A_104, %dma_start3A_105] : memref<100000x64xf32, #tpu.memory_space<hbm>> -> memref<100000x64xf32, #tpu.memory_space<hbm>>
    tpu.enqueue_indirect_dma source(%dma_start3A_106 : memref<100000x64xf32, #tpu.memory_space<hbm>>) target(%arg16 : memref<800x64xf32, #tpu.memory_space<vmem>>) offsets(%arg10 : memref<800xi32, #tpu.memory_space<vmem>>) semaphore(%arg18 : memref<!tpu.dma_semaphore, #tpu.memory_space<semaphore_mem>>) {add = true}
    %dma_start3A_107 = arith.constant 0 : i32
    %dma_start3A_108 = arith.constant 0 : i32
    %dma_start3A_109 = tpu.memref_slice %arg6[%dma_start3A_107, %dma_start3A_108] : memref<100000x64xf32, #tpu.memory_space<hbm>> -> memref<100000x64xf32, #tpu.memory_space<hbm>>
    tpu.enqueue_indirect_dma source(%dma_start3A_109 : memref<100000x64xf32, #tpu.memory_space<hbm>>) target(%arg16 : memref<800x64xf32, #tpu.memory_space<vmem>>) offsets(%arg12 : memref<800xi32, #tpu.memory_space<vmem>>) semaphore(%arg18 : memref<!tpu.dma_semaphore, #tpu.memory_space<semaphore_mem>>) {add = true}
    %dma_start3A_110 = arith.constant 0 : i32
    %dma_start3A_111 = arith.constant 0 : i32
    %dma_start3A_112 = tpu.memref_slice %arg7[%dma_start3A_110, %dma_start3A_111] : memref<100000x64xf32, #tpu.memory_space<hbm>> -> memref<100000x64xf32, #tpu.memory_space<hbm>>
    tpu.enqueue_indirect_dma source(%dma_start3A_112 : memref<100000x64xf32, #tpu.memory_space<hbm>>) target(%arg16 : memref<800x64xf32, #tpu.memory_space<vmem>>) offsets(%arg14 : memref<800xi32, #tpu.memory_space<vmem>>) semaphore(%arg18 : memref<!tpu.dma_semaphore, #tpu.memory_space<semaphore_mem>>) {add = true}
    %dma_wait3A_113 = arith.constant 0 : i32
    %dma_wait3A_114 = arith.constant 0 : i32
    %dma_wait3A_115 = tpu.memref_slice %arg5[%dma_wait3A_113, %dma_wait3A_114] : memref<100000x64xf32, #tpu.memory_space<hbm>> -> memref<100000x64xf32, #tpu.memory_space<hbm>>
    tpu.wait_indirect_dma semaphore(%arg19 : memref<!tpu.dma_semaphore, #tpu.memory_space<semaphore_mem>>) src(%dma_wait3A_115 : memref<100000x64xf32, #tpu.memory_space<hbm>>) dst(%arg17 : memref<800x64xf32, #tpu.memory_space<vmem>>)
    %dma_wait3A_116 = arith.constant 0 : i32
    %dma_wait3A_117 = arith.constant 0 : i32
    %dma_wait3A_118 = tpu.memref_slice %arg6[%dma_wait3A_116, %dma_wait3A_117] : memref<100000x64xf32, #tpu.memory_space<hbm>> -> memref<100000x64xf32, #tpu.memory_space<hbm>>
    tpu.wait_indirect_dma semaphore(%arg19 : memref<!tpu.dma_semaphore, #tpu.memory_space<semaphore_mem>>) src(%dma_wait3A_118 : memref<100000x64xf32, #tpu.memory_space<hbm>>) dst(%arg17 : memref<800x64xf32, #tpu.memory_space<vmem>>)
    %dma_wait3A_119 = arith.constant 0 : i32
    %dma_wait3A_120 = arith.constant 0 : i32
    %dma_wait3A_121 = tpu.memref_slice %arg7[%dma_wait3A_119, %dma_wait3A_120] : memref<100000x64xf32, #tpu.memory_space<hbm>> -> memref<100000x64xf32, #tpu.memory_space<hbm>>
    tpu.wait_indirect_dma semaphore(%arg19 : memref<!tpu.dma_semaphore, #tpu.memory_space<semaphore_mem>>) src(%dma_wait3A_121 : memref<100000x64xf32, #tpu.memory_space<hbm>>) dst(%arg17 : memref<800x64xf32, #tpu.memory_space<vmem>>)
    %add3A_122 = arith.constant 2400 : i32
    %add3A_123 = arith.addi %mul3A_2, %add3A_122 : i32
    %dma_start3A_124 = arith.constant 0 : i32
    %dma_start3A_125 = tpu.memref_slice %arg9[%add3A_123, %dma_start3A_124] : memref<204800x64xf32, #tpu.memory_space<hbm>> -> memref<800x64xf32, #tpu.memory_space<hbm>>
    %dma_start3A_126 = arith.constant 0 : i32
    %dma_start3A_127 = tpu.memref_slice %arg9[%add3A_123, %dma_start3A_126] : memref<204800x64xf32, #tpu.memory_space<hbm>> -> memref<800x64xf32, #tpu.memory_space<hbm>>
    tpu.enqueue_dma source(%arg17 : memref<800x64xf32, #tpu.memory_space<vmem>>) target(%dma_start3A_127 : memref<800x64xf32, #tpu.memory_space<hbm>>) target_semaphore(%arg21 : memref<!tpu.dma_semaphore, #tpu.memory_space<semaphore_mem>>)
    %dma_wait3A_128 = arith.constant 0 : i32
    %dma_wait3A_129 = tpu.memref_slice %arg9[%add3A_123, %dma_wait3A_128] : memref<204800x64xf32, #tpu.memory_space<hbm>> -> memref<800x64xf32, #tpu.memory_space<hbm>>
    %dma_wait3A_130 = arith.constant 0 : i32
    %dma_wait3A_131 = tpu.memref_slice %arg9[%add3A_123, %dma_wait3A_130] : memref<204800x64xf32, #tpu.memory_space<hbm>> -> memref<800x64xf32, #tpu.memory_space<hbm>>
    tpu.wait_dma2 semaphore(%arg21 : memref<!tpu.dma_semaphore, #tpu.memory_space<semaphore_mem>>) src(%arg17 : memref<800x64xf32, #tpu.memory_space<vmem>>) dst(%dma_wait3A_131 : memref<800x64xf32, #tpu.memory_space<hbm>>)
    %add3A_132 = arith.constant 4000 : i32
    %add3A_133 = arith.addi %mul3A_2, %add3A_132 : i32
    "tpu.region"() ({
      %run_scoped3A = tpu.sem_alloc : memref<!tpu.dma_semaphore, #tpu.memory_space<semaphore_mem>>
      %dma_start3A_241 = tpu.memref_slice %arg2[%add3A_133] : memref<204800xi32, #tpu.memory_space<hbm>> -> memref<800xi32, #tpu.memory_space<hbm>>
      %dma_start3A_242 = tpu.memref_slice %arg2[%add3A_133] : memref<204800xi32, #tpu.memory_space<hbm>> -> memref<800xi32, #tpu.memory_space<hbm>>
      tpu.enqueue_dma source(%dma_start3A_242 : memref<800xi32, #tpu.memory_space<hbm>>) target(%arg11 : memref<800xi32, #tpu.memory_space<vmem>>) target_semaphore(%run_scoped3A : memref<!tpu.dma_semaphore, #tpu.memory_space<semaphore_mem>>)
      %dma_wait3A_243 = tpu.memref_slice %arg2[%add3A_133] : memref<204800xi32, #tpu.memory_space<hbm>> -> memref<800xi32, #tpu.memory_space<hbm>>
      %dma_wait3A_244 = tpu.memref_slice %arg2[%add3A_133] : memref<204800xi32, #tpu.memory_space<hbm>> -> memref<800xi32, #tpu.memory_space<hbm>>
      tpu.wait_dma2 semaphore(%run_scoped3A : memref<!tpu.dma_semaphore, #tpu.memory_space<semaphore_mem>>) src(%dma_wait3A_244 : memref<800xi32, #tpu.memory_space<hbm>>) dst(%arg11 : memref<800xi32, #tpu.memory_space<vmem>>)
      tpu.yield
    }) : () -> ()
    "tpu.region"() ({
      %run_scoped3A = tpu.sem_alloc : memref<!tpu.dma_semaphore, #tpu.memory_space<semaphore_mem>>
      %dma_start3A_241 = tpu.memref_slice %arg3[%add3A_133] : memref<204800xi32, #tpu.memory_space<hbm>> -> memref<800xi32, #tpu.memory_space<hbm>>
      %dma_start3A_242 = tpu.memref_slice %arg3[%add3A_133] : memref<204800xi32, #tpu.memory_space<hbm>> -> memref<800xi32, #tpu.memory_space<hbm>>
      tpu.enqueue_dma source(%dma_start3A_242 : memref<800xi32, #tpu.memory_space<hbm>>) target(%arg13 : memref<800xi32, #tpu.memory_space<vmem>>) target_semaphore(%run_scoped3A : memref<!tpu.dma_semaphore, #tpu.memory_space<semaphore_mem>>)
      %dma_wait3A_243 = tpu.memref_slice %arg3[%add3A_133] : memref<204800xi32, #tpu.memory_space<hbm>> -> memref<800xi32, #tpu.memory_space<hbm>>
      %dma_wait3A_244 = tpu.memref_slice %arg3[%add3A_133] : memref<204800xi32, #tpu.memory_space<hbm>> -> memref<800xi32, #tpu.memory_space<hbm>>
      tpu.wait_dma2 semaphore(%run_scoped3A : memref<!tpu.dma_semaphore, #tpu.memory_space<semaphore_mem>>) src(%dma_wait3A_244 : memref<800xi32, #tpu.memory_space<hbm>>) dst(%arg13 : memref<800xi32, #tpu.memory_space<vmem>>)
      tpu.yield
    }) : () -> ()
    "tpu.region"() ({
      %run_scoped3A = tpu.sem_alloc : memref<!tpu.dma_semaphore, #tpu.memory_space<semaphore_mem>>
      %dma_start3A_241 = tpu.memref_slice %arg4[%add3A_133] : memref<204800xi32, #tpu.memory_space<hbm>> -> memref<800xi32, #tpu.memory_space<hbm>>
      %dma_start3A_242 = tpu.memref_slice %arg4[%add3A_133] : memref<204800xi32, #tpu.memory_space<hbm>> -> memref<800xi32, #tpu.memory_space<hbm>>
      tpu.enqueue_dma source(%dma_start3A_242 : memref<800xi32, #tpu.memory_space<hbm>>) target(%arg15 : memref<800xi32, #tpu.memory_space<vmem>>) target_semaphore(%run_scoped3A : memref<!tpu.dma_semaphore, #tpu.memory_space<semaphore_mem>>)
      %dma_wait3A_243 = tpu.memref_slice %arg4[%add3A_133] : memref<204800xi32, #tpu.memory_space<hbm>> -> memref<800xi32, #tpu.memory_space<hbm>>
      %dma_wait3A_244 = tpu.memref_slice %arg4[%add3A_133] : memref<204800xi32, #tpu.memory_space<hbm>> -> memref<800xi32, #tpu.memory_space<hbm>>
      tpu.wait_dma2 semaphore(%run_scoped3A : memref<!tpu.dma_semaphore, #tpu.memory_space<semaphore_mem>>) src(%dma_wait3A_244 : memref<800xi32, #tpu.memory_space<hbm>>) dst(%arg15 : memref<800xi32, #tpu.memory_space<vmem>>)
      tpu.yield
    }) : () -> ()
    "tpu.region"() ({
      %run_scoped3A = tpu.sem_alloc : memref<!tpu.dma_semaphore, #tpu.memory_space<semaphore_mem>>
      tpu.enqueue_dma source(%arg8 : memref<800x64xf32, #tpu.memory_space<hbm>>) target(%arg17 : memref<800x64xf32, #tpu.memory_space<vmem>>) target_semaphore(%run_scoped3A : memref<!tpu.dma_semaphore, #tpu.memory_space<semaphore_mem>>)
      tpu.wait_dma2 semaphore(%run_scoped3A : memref<!tpu.dma_semaphore, #tpu.memory_space<semaphore_mem>>) src(%arg8 : memref<800x64xf32, #tpu.memory_space<hbm>>) dst(%arg17 : memref<800x64xf32, #tpu.memory_space<vmem>>)
      tpu.yield
    }) : () -> ()
    %dma_start3A_134 = arith.constant 0 : i32
    %dma_start3A_135 = arith.constant 0 : i32
    %dma_start3A_136 = tpu.memref_slice %arg5[%dma_start3A_134, %dma_start3A_135] : memref<100000x64xf32, #tpu.memory_space<hbm>> -> memref<100000x64xf32, #tpu.memory_space<hbm>>
    tpu.enqueue_indirect_dma source(%dma_start3A_136 : memref<100000x64xf32, #tpu.memory_space<hbm>>) target(%arg17 : memref<800x64xf32, #tpu.memory_space<vmem>>) offsets(%arg11 : memref<800xi32, #tpu.memory_space<vmem>>) semaphore(%arg19 : memref<!tpu.dma_semaphore, #tpu.memory_space<semaphore_mem>>) {add = true}
    %dma_start3A_137 = arith.constant 0 : i32
    %dma_start3A_138 = arith.constant 0 : i32
    %dma_start3A_139 = tpu.memref_slice %arg6[%dma_start3A_137, %dma_start3A_138] : memref<100000x64xf32, #tpu.memory_space<hbm>> -> memref<100000x64xf32, #tpu.memory_space<hbm>>
    tpu.enqueue_indirect_dma source(%dma_start3A_139 : memref<100000x64xf32, #tpu.memory_space<hbm>>) target(%arg17 : memref<800x64xf32, #tpu.memory_space<vmem>>) offsets(%arg13 : memref<800xi32, #tpu.memory_space<vmem>>) semaphore(%arg19 : memref<!tpu.dma_semaphore, #tpu.memory_space<semaphore_mem>>) {add = true}
    %dma_start3A_140 = arith.constant 0 : i32
    %dma_start3A_141 = arith.constant 0 : i32
    %dma_start3A_142 = tpu.memref_slice %arg7[%dma_start3A_140, %dma_start3A_141] : memref<100000x64xf32, #tpu.memory_space<hbm>> -> memref<100000x64xf32, #tpu.memory_space<hbm>>
    tpu.enqueue_indirect_dma source(%dma_start3A_142 : memref<100000x64xf32, #tpu.memory_space<hbm>>) target(%arg17 : memref<800x64xf32, #tpu.memory_space<vmem>>) offsets(%arg15 : memref<800xi32, #tpu.memory_space<vmem>>) semaphore(%arg19 : memref<!tpu.dma_semaphore, #tpu.memory_space<semaphore_mem>>) {add = true}
    %dma_wait3A_143 = arith.constant 0 : i32
    %dma_wait3A_144 = arith.constant 0 : i32
    %dma_wait3A_145 = tpu.memref_slice %arg5[%dma_wait3A_143, %dma_wait3A_144] : memref<100000x64xf32, #tpu.memory_space<hbm>> -> memref<100000x64xf32, #tpu.memory_space<hbm>>
    tpu.wait_indirect_dma semaphore(%arg18 : memref<!tpu.dma_semaphore, #tpu.memory_space<semaphore_mem>>) src(%dma_wait3A_145 : memref<100000x64xf32, #tpu.memory_space<hbm>>) dst(%arg16 : memref<800x64xf32, #tpu.memory_space<vmem>>)
    %dma_wait3A_146 = arith.constant 0 : i32
    %dma_wait3A_147 = arith.constant 0 : i32
    %dma_wait3A_148 = tpu.memref_slice %arg6[%dma_wait3A_146, %dma_wait3A_147] : memref<100000x64xf32, #tpu.memory_space<hbm>> -> memref<100000x64xf32, #tpu.memory_space<hbm>>
    tpu.wait_indirect_dma semaphore(%arg18 : memref<!tpu.dma_semaphore, #tpu.memory_space<semaphore_mem>>) src(%dma_wait3A_148 : memref<100000x64xf32, #tpu.memory_space<hbm>>) dst(%arg16 : memref<800x64xf32, #tpu.memory_space<vmem>>)
    %dma_wait3A_149 = arith.constant 0 : i32
    %dma_wait3A_150 = arith.constant 0 : i32
    %dma_wait3A_151 = tpu.memref_slice %arg7[%dma_wait3A_149, %dma_wait3A_150] : memref<100000x64xf32, #tpu.memory_space<hbm>> -> memref<100000x64xf32, #tpu.memory_space<hbm>>
    tpu.wait_indirect_dma semaphore(%arg18 : memref<!tpu.dma_semaphore, #tpu.memory_space<semaphore_mem>>) src(%dma_wait3A_151 : memref<100000x64xf32, #tpu.memory_space<hbm>>) dst(%arg16 : memref<800x64xf32, #tpu.memory_space<vmem>>)
    %add3A_152 = arith.constant 3200 : i32
    %add3A_153 = arith.addi %mul3A_2, %add3A_152 : i32
    %dma_start3A_154 = arith.constant 0 : i32
    %dma_start3A_155 = tpu.memref_slice %arg9[%add3A_153, %dma_start3A_154] : memref<204800x64xf32, #tpu.memory_space<hbm>> -> memref<800x64xf32, #tpu.memory_space<hbm>>
    %dma_start3A_156 = arith.constant 0 : i32
    %dma_start3A_157 = tpu.memref_slice %arg9[%add3A_153, %dma_start3A_156] : memref<204800x64xf32, #tpu.memory_space<hbm>> -> memref<800x64xf32, #tpu.memory_space<hbm>>
    tpu.enqueue_dma source(%arg16 : memref<800x64xf32, #tpu.memory_space<vmem>>) target(%dma_start3A_157 : memref<800x64xf32, #tpu.memory_space<hbm>>) target_semaphore(%arg20 : memref<!tpu.dma_semaphore, #tpu.memory_space<semaphore_mem>>)
    %dma_wait3A_158 = arith.constant 0 : i32
    %dma_wait3A_159 = tpu.memref_slice %arg9[%add3A_153, %dma_wait3A_158] : memref<204800x64xf32, #tpu.memory_space<hbm>> -> memref<800x64xf32, #tpu.memory_space<hbm>>
    %dma_wait3A_160 = arith.constant 0 : i32
    %dma_wait3A_161 = tpu.memref_slice %arg9[%add3A_153, %dma_wait3A_160] : memref<204800x64xf32, #tpu.memory_space<hbm>> -> memref<800x64xf32, #tpu.memory_space<hbm>>
    tpu.wait_dma2 semaphore(%arg20 : memref<!tpu.dma_semaphore, #tpu.memory_space<semaphore_mem>>) src(%arg16 : memref<800x64xf32, #tpu.memory_space<vmem>>) dst(%dma_wait3A_161 : memref<800x64xf32, #tpu.memory_space<hbm>>)
    %add3A_162 = arith.constant 4800 : i32
    %add3A_163 = arith.addi %mul3A_2, %add3A_162 : i32
    "tpu.region"() ({
      %run_scoped3A = tpu.sem_alloc : memref<!tpu.dma_semaphore, #tpu.memory_space<semaphore_mem>>
      %dma_start3A_241 = tpu.memref_slice %arg2[%add3A_163] : memref<204800xi32, #tpu.memory_space<hbm>> -> memref<800xi32, #tpu.memory_space<hbm>>
      %dma_start3A_242 = tpu.memref_slice %arg2[%add3A_163] : memref<204800xi32, #tpu.memory_space<hbm>> -> memref<800xi32, #tpu.memory_space<hbm>>
      tpu.enqueue_dma source(%dma_start3A_242 : memref<800xi32, #tpu.memory_space<hbm>>) target(%arg10 : memref<800xi32, #tpu.memory_space<vmem>>) target_semaphore(%run_scoped3A : memref<!tpu.dma_semaphore, #tpu.memory_space<semaphore_mem>>)
      %dma_wait3A_243 = tpu.memref_slice %arg2[%add3A_163] : memref<204800xi32, #tpu.memory_space<hbm>> -> memref<800xi32, #tpu.memory_space<hbm>>
      %dma_wait3A_244 = tpu.memref_slice %arg2[%add3A_163] : memref<204800xi32, #tpu.memory_space<hbm>> -> memref<800xi32, #tpu.memory_space<hbm>>
      tpu.wait_dma2 semaphore(%run_scoped3A : memref<!tpu.dma_semaphore, #tpu.memory_space<semaphore_mem>>) src(%dma_wait3A_244 : memref<800xi32, #tpu.memory_space<hbm>>) dst(%arg10 : memref<800xi32, #tpu.memory_space<vmem>>)
      tpu.yield
    }) : () -> ()
    "tpu.region"() ({
      %run_scoped3A = tpu.sem_alloc : memref<!tpu.dma_semaphore, #tpu.memory_space<semaphore_mem>>
      %dma_start3A_241 = tpu.memref_slice %arg3[%add3A_163] : memref<204800xi32, #tpu.memory_space<hbm>> -> memref<800xi32, #tpu.memory_space<hbm>>
      %dma_start3A_242 = tpu.memref_slice %arg3[%add3A_163] : memref<204800xi32, #tpu.memory_space<hbm>> -> memref<800xi32, #tpu.memory_space<hbm>>
      tpu.enqueue_dma source(%dma_start3A_242 : memref<800xi32, #tpu.memory_space<hbm>>) target(%arg12 : memref<800xi32, #tpu.memory_space<vmem>>) target_semaphore(%run_scoped3A : memref<!tpu.dma_semaphore, #tpu.memory_space<semaphore_mem>>)
      %dma_wait3A_243 = tpu.memref_slice %arg3[%add3A_163] : memref<204800xi32, #tpu.memory_space<hbm>> -> memref<800xi32, #tpu.memory_space<hbm>>
      %dma_wait3A_244 = tpu.memref_slice %arg3[%add3A_163] : memref<204800xi32, #tpu.memory_space<hbm>> -> memref<800xi32, #tpu.memory_space<hbm>>
      tpu.wait_dma2 semaphore(%run_scoped3A : memref<!tpu.dma_semaphore, #tpu.memory_space<semaphore_mem>>) src(%dma_wait3A_244 : memref<800xi32, #tpu.memory_space<hbm>>) dst(%arg12 : memref<800xi32, #tpu.memory_space<vmem>>)
      tpu.yield
    }) : () -> ()
    "tpu.region"() ({
      %run_scoped3A = tpu.sem_alloc : memref<!tpu.dma_semaphore, #tpu.memory_space<semaphore_mem>>
      %dma_start3A_241 = tpu.memref_slice %arg4[%add3A_163] : memref<204800xi32, #tpu.memory_space<hbm>> -> memref<800xi32, #tpu.memory_space<hbm>>
      %dma_start3A_242 = tpu.memref_slice %arg4[%add3A_163] : memref<204800xi32, #tpu.memory_space<hbm>> -> memref<800xi32, #tpu.memory_space<hbm>>
      tpu.enqueue_dma source(%dma_start3A_242 : memref<800xi32, #tpu.memory_space<hbm>>) target(%arg14 : memref<800xi32, #tpu.memory_space<vmem>>) target_semaphore(%run_scoped3A : memref<!tpu.dma_semaphore, #tpu.memory_space<semaphore_mem>>)
      %dma_wait3A_243 = tpu.memref_slice %arg4[%add3A_163] : memref<204800xi32, #tpu.memory_space<hbm>> -> memref<800xi32, #tpu.memory_space<hbm>>
      %dma_wait3A_244 = tpu.memref_slice %arg4[%add3A_163] : memref<204800xi32, #tpu.memory_space<hbm>> -> memref<800xi32, #tpu.memory_space<hbm>>
      tpu.wait_dma2 semaphore(%run_scoped3A : memref<!tpu.dma_semaphore, #tpu.memory_space<semaphore_mem>>) src(%dma_wait3A_244 : memref<800xi32, #tpu.memory_space<hbm>>) dst(%arg14 : memref<800xi32, #tpu.memory_space<vmem>>)
      tpu.yield
    }) : () -> ()
    "tpu.region"() ({
      %run_scoped3A = tpu.sem_alloc : memref<!tpu.dma_semaphore, #tpu.memory_space<semaphore_mem>>
      tpu.enqueue_dma source(%arg8 : memref<800x64xf32, #tpu.memory_space<hbm>>) target(%arg16 : memref<800x64xf32, #tpu.memory_space<vmem>>) target_semaphore(%run_scoped3A : memref<!tpu.dma_semaphore, #tpu.memory_space<semaphore_mem>>)
      tpu.wait_dma2 semaphore(%run_scoped3A : memref<!tpu.dma_semaphore, #tpu.memory_space<semaphore_mem>>) src(%arg8 : memref<800x64xf32, #tpu.memory_space<hbm>>) dst(%arg16 : memref<800x64xf32, #tpu.memory_space<vmem>>)
      tpu.yield
    }) : () -> ()
    %dma_start3A_164 = arith.constant 0 : i32
    %dma_start3A_165 = arith.constant 0 : i32
    %dma_start3A_166 = tpu.memref_slice %arg5[%dma_start3A_164, %dma_start3A_165] : memref<100000x64xf32, #tpu.memory_space<hbm>> -> memref<100000x64xf32, #tpu.memory_space<hbm>>
    tpu.enqueue_indirect_dma source(%dma_start3A_166 : memref<100000x64xf32, #tpu.memory_space<hbm>>) target(%arg16 : memref<800x64xf32, #tpu.memory_space<vmem>>) offsets(%arg10 : memref<800xi32, #tpu.memory_space<vmem>>) semaphore(%arg18 : memref<!tpu.dma_semaphore, #tpu.memory_space<semaphore_mem>>) {add = true}
    %dma_start3A_167 = arith.constant 0 : i32
    %dma_start3A_168 = arith.constant 0 : i32
    %dma_start3A_169 = tpu.memref_slice %arg6[%dma_start3A_167, %dma_start3A_168] : memref<100000x64xf32, #tpu.memory_space<hbm>> -> memref<100000x64xf32, #tpu.memory_space<hbm>>
    tpu.enqueue_indirect_dma source(%dma_start3A_169 : memref<100000x64xf32, #tpu.memory_space<hbm>>) target(%arg16 : memref<800x64xf32, #tpu.memory_space<vmem>>) offsets(%arg12 : memref<800xi32, #tpu.memory_space<vmem>>) semaphore(%arg18 : memref<!tpu.dma_semaphore, #tpu.memory_space<semaphore_mem>>) {add = true}
    %dma_start3A_170 = arith.constant 0 : i32
    %dma_start3A_171 = arith.constant 0 : i32
    %dma_start3A_172 = tpu.memref_slice %arg7[%dma_start3A_170, %dma_start3A_171] : memref<100000x64xf32, #tpu.memory_space<hbm>> -> memref<100000x64xf32, #tpu.memory_space<hbm>>
    tpu.enqueue_indirect_dma source(%dma_start3A_172 : memref<100000x64xf32, #tpu.memory_space<hbm>>) target(%arg16 : memref<800x64xf32, #tpu.memory_space<vmem>>) offsets(%arg14 : memref<800xi32, #tpu.memory_space<vmem>>) semaphore(%arg18 : memref<!tpu.dma_semaphore, #tpu.memory_space<semaphore_mem>>) {add = true}
    %dma_wait3A_173 = arith.constant 0 : i32
    %dma_wait3A_174 = arith.constant 0 : i32
    %dma_wait3A_175 = tpu.memref_slice %arg5[%dma_wait3A_173, %dma_wait3A_174] : memref<100000x64xf32, #tpu.memory_space<hbm>> -> memref<100000x64xf32, #tpu.memory_space<hbm>>
    tpu.wait_indirect_dma semaphore(%arg19 : memref<!tpu.dma_semaphore, #tpu.memory_space<semaphore_mem>>) src(%dma_wait3A_175 : memref<100000x64xf32, #tpu.memory_space<hbm>>) dst(%arg17 : memref<800x64xf32, #tpu.memory_space<vmem>>)
    %dma_wait3A_176 = arith.constant 0 : i32
    %dma_wait3A_177 = arith.constant 0 : i32
    %dma_wait3A_178 = tpu.memref_slice %arg6[%dma_wait3A_176, %dma_wait3A_177] : memref<100000x64xf32, #tpu.memory_space<hbm>> -> memref<100000x64xf32, #tpu.memory_space<hbm>>
    tpu.wait_indirect_dma semaphore(%arg19 : memref<!tpu.dma_semaphore, #tpu.memory_space<semaphore_mem>>) src(%dma_wait3A_178 : memref<100000x64xf32, #tpu.memory_space<hbm>>) dst(%arg17 : memref<800x64xf32, #tpu.memory_space<vmem>>)
    %dma_wait3A_179 = arith.constant 0 : i32
    %dma_wait3A_180 = arith.constant 0 : i32
    %dma_wait3A_181 = tpu.memref_slice %arg7[%dma_wait3A_179, %dma_wait3A_180] : memref<100000x64xf32, #tpu.memory_space<hbm>> -> memref<100000x64xf32, #tpu.memory_space<hbm>>
    tpu.wait_indirect_dma semaphore(%arg19 : memref<!tpu.dma_semaphore, #tpu.memory_space<semaphore_mem>>) src(%dma_wait3A_181 : memref<100000x64xf32, #tpu.memory_space<hbm>>) dst(%arg17 : memref<800x64xf32, #tpu.memory_space<vmem>>)
    %add3A_182 = arith.constant 4000 : i32
    %add3A_183 = arith.addi %mul3A_2, %add3A_182 : i32
    %dma_start3A_184 = arith.constant 0 : i32
    %dma_start3A_185 = tpu.memref_slice %arg9[%add3A_183, %dma_start3A_184] : memref<204800x64xf32, #tpu.memory_space<hbm>> -> memref<800x64xf32, #tpu.memory_space<hbm>>
    %dma_start3A_186 = arith.constant 0 : i32
    %dma_start3A_187 = tpu.memref_slice %arg9[%add3A_183, %dma_start3A_186] : memref<204800x64xf32, #tpu.memory_space<hbm>> -> memref<800x64xf32, #tpu.memory_space<hbm>>
    tpu.enqueue_dma source(%arg17 : memref<800x64xf32, #tpu.memory_space<vmem>>) target(%dma_start3A_187 : memref<800x64xf32, #tpu.memory_space<hbm>>) target_semaphore(%arg21 : memref<!tpu.dma_semaphore, #tpu.memory_space<semaphore_mem>>)
    %dma_wait3A_188 = arith.constant 0 : i32
    %dma_wait3A_189 = tpu.memref_slice %arg9[%add3A_183, %dma_wait3A_188] : memref<204800x64xf32, #tpu.memory_space<hbm>> -> memref<800x64xf32, #tpu.memory_space<hbm>>
    %dma_wait3A_190 = arith.constant 0 : i32
    %dma_wait3A_191 = tpu.memref_slice %arg9[%add3A_183, %dma_wait3A_190] : memref<204800x64xf32, #tpu.memory_space<hbm>> -> memref<800x64xf32, #tpu.memory_space<hbm>>
    tpu.wait_dma2 semaphore(%arg21 : memref<!tpu.dma_semaphore, #tpu.memory_space<semaphore_mem>>) src(%arg17 : memref<800x64xf32, #tpu.memory_space<vmem>>) dst(%dma_wait3A_191 : memref<800x64xf32, #tpu.memory_space<hbm>>)
    %add3A_192 = arith.constant 5600 : i32
    %add3A_193 = arith.addi %mul3A_2, %add3A_192 : i32
    "tpu.region"() ({
      %run_scoped3A = tpu.sem_alloc : memref<!tpu.dma_semaphore, #tpu.memory_space<semaphore_mem>>
      %dma_start3A_241 = tpu.memref_slice %arg2[%add3A_193] : memref<204800xi32, #tpu.memory_space<hbm>> -> memref<800xi32, #tpu.memory_space<hbm>>
      %dma_start3A_242 = tpu.memref_slice %arg2[%add3A_193] : memref<204800xi32, #tpu.memory_space<hbm>> -> memref<800xi32, #tpu.memory_space<hbm>>
      tpu.enqueue_dma source(%dma_start3A_242 : memref<800xi32, #tpu.memory_space<hbm>>) target(%arg11 : memref<800xi32, #tpu.memory_space<vmem>>) target_semaphore(%run_scoped3A : memref<!tpu.dma_semaphore, #tpu.memory_space<semaphore_mem>>)
      %dma_wait3A_243 = tpu.memref_slice %arg2[%add3A_193] : memref<204800xi32, #tpu.memory_space<hbm>> -> memref<800xi32, #tpu.memory_space<hbm>>
      %dma_wait3A_244 = tpu.memref_slice %arg2[%add3A_193] : memref<204800xi32, #tpu.memory_space<hbm>> -> memref<800xi32, #tpu.memory_space<hbm>>
      tpu.wait_dma2 semaphore(%run_scoped3A : memref<!tpu.dma_semaphore, #tpu.memory_space<semaphore_mem>>) src(%dma_wait3A_244 : memref<800xi32, #tpu.memory_space<hbm>>) dst(%arg11 : memref<800xi32, #tpu.memory_space<vmem>>)
      tpu.yield
    }) : () -> ()
    "tpu.region"() ({
      %run_scoped3A = tpu.sem_alloc : memref<!tpu.dma_semaphore, #tpu.memory_space<semaphore_mem>>
      %dma_start3A_241 = tpu.memref_slice %arg3[%add3A_193] : memref<204800xi32, #tpu.memory_space<hbm>> -> memref<800xi32, #tpu.memory_space<hbm>>
      %dma_start3A_242 = tpu.memref_slice %arg3[%add3A_193] : memref<204800xi32, #tpu.memory_space<hbm>> -> memref<800xi32, #tpu.memory_space<hbm>>
      tpu.enqueue_dma source(%dma_start3A_242 : memref<800xi32, #tpu.memory_space<hbm>>) target(%arg13 : memref<800xi32, #tpu.memory_space<vmem>>) target_semaphore(%run_scoped3A : memref<!tpu.dma_semaphore, #tpu.memory_space<semaphore_mem>>)
      %dma_wait3A_243 = tpu.memref_slice %arg3[%add3A_193] : memref<204800xi32, #tpu.memory_space<hbm>> -> memref<800xi32, #tpu.memory_space<hbm>>
      %dma_wait3A_244 = tpu.memref_slice %arg3[%add3A_193] : memref<204800xi32, #tpu.memory_space<hbm>> -> memref<800xi32, #tpu.memory_space<hbm>>
      tpu.wait_dma2 semaphore(%run_scoped3A : memref<!tpu.dma_semaphore, #tpu.memory_space<semaphore_mem>>) src(%dma_wait3A_244 : memref<800xi32, #tpu.memory_space<hbm>>) dst(%arg13 : memref<800xi32, #tpu.memory_space<vmem>>)
      tpu.yield
    }) : () -> ()
    "tpu.region"() ({
      %run_scoped3A = tpu.sem_alloc : memref<!tpu.dma_semaphore, #tpu.memory_space<semaphore_mem>>
      %dma_start3A_241 = tpu.memref_slice %arg4[%add3A_193] : memref<204800xi32, #tpu.memory_space<hbm>> -> memref<800xi32, #tpu.memory_space<hbm>>
      %dma_start3A_242 = tpu.memref_slice %arg4[%add3A_193] : memref<204800xi32, #tpu.memory_space<hbm>> -> memref<800xi32, #tpu.memory_space<hbm>>
      tpu.enqueue_dma source(%dma_start3A_242 : memref<800xi32, #tpu.memory_space<hbm>>) target(%arg15 : memref<800xi32, #tpu.memory_space<vmem>>) target_semaphore(%run_scoped3A : memref<!tpu.dma_semaphore, #tpu.memory_space<semaphore_mem>>)
      %dma_wait3A_243 = tpu.memref_slice %arg4[%add3A_193] : memref<204800xi32, #tpu.memory_space<hbm>> -> memref<800xi32, #tpu.memory_space<hbm>>
      %dma_wait3A_244 = tpu.memref_slice %arg4[%add3A_193] : memref<204800xi32, #tpu.memory_space<hbm>> -> memref<800xi32, #tpu.memory_space<hbm>>
      tpu.wait_dma2 semaphore(%run_scoped3A : memref<!tpu.dma_semaphore, #tpu.memory_space<semaphore_mem>>) src(%dma_wait3A_244 : memref<800xi32, #tpu.memory_space<hbm>>) dst(%arg15 : memref<800xi32, #tpu.memory_space<vmem>>)
      tpu.yield
    }) : () -> ()
    "tpu.region"() ({
      %run_scoped3A = tpu.sem_alloc : memref<!tpu.dma_semaphore, #tpu.memory_space<semaphore_mem>>
      tpu.enqueue_dma source(%arg8 : memref<800x64xf32, #tpu.memory_space<hbm>>) target(%arg17 : memref<800x64xf32, #tpu.memory_space<vmem>>) target_semaphore(%run_scoped3A : memref<!tpu.dma_semaphore, #tpu.memory_space<semaphore_mem>>)
      tpu.wait_dma2 semaphore(%run_scoped3A : memref<!tpu.dma_semaphore, #tpu.memory_space<semaphore_mem>>) src(%arg8 : memref<800x64xf32, #tpu.memory_space<hbm>>) dst(%arg17 : memref<800x64xf32, #tpu.memory_space<vmem>>)
      tpu.yield
    }) : () -> ()
    %dma_start3A_194 = arith.constant 0 : i32
    %dma_start3A_195 = arith.constant 0 : i32
    %dma_start3A_196 = tpu.memref_slice %arg5[%dma_start3A_194, %dma_start3A_195] : memref<100000x64xf32, #tpu.memory_space<hbm>> -> memref<100000x64xf32, #tpu.memory_space<hbm>>
    tpu.enqueue_indirect_dma source(%dma_start3A_196 : memref<100000x64xf32, #tpu.memory_space<hbm>>) target(%arg17 : memref<800x64xf32, #tpu.memory_space<vmem>>) offsets(%arg11 : memref<800xi32, #tpu.memory_space<vmem>>) semaphore(%arg19 : memref<!tpu.dma_semaphore, #tpu.memory_space<semaphore_mem>>) {add = true}
    %dma_start3A_197 = arith.constant 0 : i32
    %dma_start3A_198 = arith.constant 0 : i32
    %dma_start3A_199 = tpu.memref_slice %arg6[%dma_start3A_197, %dma_start3A_198] : memref<100000x64xf32, #tpu.memory_space<hbm>> -> memref<100000x64xf32, #tpu.memory_space<hbm>>
    tpu.enqueue_indirect_dma source(%dma_start3A_199 : memref<100000x64xf32, #tpu.memory_space<hbm>>) target(%arg17 : memref<800x64xf32, #tpu.memory_space<vmem>>) offsets(%arg13 : memref<800xi32, #tpu.memory_space<vmem>>) semaphore(%arg19 : memref<!tpu.dma_semaphore, #tpu.memory_space<semaphore_mem>>) {add = true}
    %dma_start3A_200 = arith.constant 0 : i32
    %dma_start3A_201 = arith.constant 0 : i32
    %dma_start3A_202 = tpu.memref_slice %arg7[%dma_start3A_200, %dma_start3A_201] : memref<100000x64xf32, #tpu.memory_space<hbm>> -> memref<100000x64xf32, #tpu.memory_space<hbm>>
    tpu.enqueue_indirect_dma source(%dma_start3A_202 : memref<100000x64xf32, #tpu.memory_space<hbm>>) target(%arg17 : memref<800x64xf32, #tpu.memory_space<vmem>>) offsets(%arg15 : memref<800xi32, #tpu.memory_space<vmem>>) semaphore(%arg19 : memref<!tpu.dma_semaphore, #tpu.memory_space<semaphore_mem>>) {add = true}
    %dma_wait3A_203 = arith.constant 0 : i32
    %dma_wait3A_204 = arith.constant 0 : i32
    %dma_wait3A_205 = tpu.memref_slice %arg5[%dma_wait3A_203, %dma_wait3A_204] : memref<100000x64xf32, #tpu.memory_space<hbm>> -> memref<100000x64xf32, #tpu.memory_space<hbm>>
    tpu.wait_indirect_dma semaphore(%arg18 : memref<!tpu.dma_semaphore, #tpu.memory_space<semaphore_mem>>) src(%dma_wait3A_205 : memref<100000x64xf32, #tpu.memory_space<hbm>>) dst(%arg16 : memref<800x64xf32, #tpu.memory_space<vmem>>)
    %dma_wait3A_206 = arith.constant 0 : i32
    %dma_wait3A_207 = arith.constant 0 : i32
    %dma_wait3A_208 = tpu.memref_slice %arg6[%dma_wait3A_206, %dma_wait3A_207] : memref<100000x64xf32, #tpu.memory_space<hbm>> -> memref<100000x64xf32, #tpu.memory_space<hbm>>
    tpu.wait_indirect_dma semaphore(%arg18 : memref<!tpu.dma_semaphore, #tpu.memory_space<semaphore_mem>>) src(%dma_wait3A_208 : memref<100000x64xf32, #tpu.memory_space<hbm>>) dst(%arg16 : memref<800x64xf32, #tpu.memory_space<vmem>>)
    %dma_wait3A_209 = arith.constant 0 : i32
    %dma_wait3A_210 = arith.constant 0 : i32
    %dma_wait3A_211 = tpu.memref_slice %arg7[%dma_wait3A_209, %dma_wait3A_210] : memref<100000x64xf32, #tpu.memory_space<hbm>> -> memref<100000x64xf32, #tpu.memory_space<hbm>>
    tpu.wait_indirect_dma semaphore(%arg18 : memref<!tpu.dma_semaphore, #tpu.memory_space<semaphore_mem>>) src(%dma_wait3A_211 : memref<100000x64xf32, #tpu.memory_space<hbm>>) dst(%arg16 : memref<800x64xf32, #tpu.memory_space<vmem>>)
    %add3A_212 = arith.constant 4800 : i32
    %add3A_213 = arith.addi %mul3A_2, %add3A_212 : i32
    %dma_start3A_214 = arith.constant 0 : i32
    %dma_start3A_215 = tpu.memref_slice %arg9[%add3A_213, %dma_start3A_214] : memref<204800x64xf32, #tpu.memory_space<hbm>> -> memref<800x64xf32, #tpu.memory_space<hbm>>
    %dma_start3A_216 = arith.constant 0 : i32
    %dma_start3A_217 = tpu.memref_slice %arg9[%add3A_213, %dma_start3A_216] : memref<204800x64xf32, #tpu.memory_space<hbm>> -> memref<800x64xf32, #tpu.memory_space<hbm>>
    tpu.enqueue_dma source(%arg16 : memref<800x64xf32, #tpu.memory_space<vmem>>) target(%dma_start3A_217 : memref<800x64xf32, #tpu.memory_space<hbm>>) target_semaphore(%arg20 : memref<!tpu.dma_semaphore, #tpu.memory_space<semaphore_mem>>)
    %dma_wait3A_218 = arith.constant 0 : i32
    %dma_wait3A_219 = arith.constant 0 : i32
    %dma_wait3A_220 = tpu.memref_slice %arg5[%dma_wait3A_218, %dma_wait3A_219] : memref<100000x64xf32, #tpu.memory_space<hbm>> -> memref<100000x64xf32, #tpu.memory_space<hbm>>
    tpu.wait_indirect_dma semaphore(%arg19 : memref<!tpu.dma_semaphore, #tpu.memory_space<semaphore_mem>>) src(%dma_wait3A_220 : memref<100000x64xf32, #tpu.memory_space<hbm>>) dst(%arg17 : memref<800x64xf32, #tpu.memory_space<vmem>>)
    %dma_wait3A_221 = arith.constant 0 : i32
    %dma_wait3A_222 = arith.constant 0 : i32
    %dma_wait3A_223 = tpu.memref_slice %arg6[%dma_wait3A_221, %dma_wait3A_222] : memref<100000x64xf32, #tpu.memory_space<hbm>> -> memref<100000x64xf32, #tpu.memory_space<hbm>>
    tpu.wait_indirect_dma semaphore(%arg19 : memref<!tpu.dma_semaphore, #tpu.memory_space<semaphore_mem>>) src(%dma_wait3A_223 : memref<100000x64xf32, #tpu.memory_space<hbm>>) dst(%arg17 : memref<800x64xf32, #tpu.memory_space<vmem>>)
    %dma_wait3A_224 = arith.constant 0 : i32
    %dma_wait3A_225 = arith.constant 0 : i32
    %dma_wait3A_226 = tpu.memref_slice %arg7[%dma_wait3A_224, %dma_wait3A_225] : memref<100000x64xf32, #tpu.memory_space<hbm>> -> memref<100000x64xf32, #tpu.memory_space<hbm>>
    tpu.wait_indirect_dma semaphore(%arg19 : memref<!tpu.dma_semaphore, #tpu.memory_space<semaphore_mem>>) src(%dma_wait3A_226 : memref<100000x64xf32, #tpu.memory_space<hbm>>) dst(%arg17 : memref<800x64xf32, #tpu.memory_space<vmem>>)
    %add3A_227 = arith.constant 5600 : i32
    %add3A_228 = arith.addi %mul3A_2, %add3A_227 : i32
    %dma_start3A_229 = arith.constant 0 : i32
    %dma_start3A_230 = tpu.memref_slice %arg9[%add3A_228, %dma_start3A_229] : memref<204800x64xf32, #tpu.memory_space<hbm>> -> memref<800x64xf32, #tpu.memory_space<hbm>>
    %dma_start3A_231 = arith.constant 0 : i32
    %dma_start3A_232 = tpu.memref_slice %arg9[%add3A_228, %dma_start3A_231] : memref<204800x64xf32, #tpu.memory_space<hbm>> -> memref<800x64xf32, #tpu.memory_space<hbm>>
    tpu.enqueue_dma source(%arg17 : memref<800x64xf32, #tpu.memory_space<vmem>>) target(%dma_start3A_232 : memref<800x64xf32, #tpu.memory_space<hbm>>) target_semaphore(%arg21 : memref<!tpu.dma_semaphore, #tpu.memory_space<semaphore_mem>>)
    %dma_wait3A_233 = arith.constant 0 : i32
    %dma_wait3A_234 = tpu.memref_slice %arg9[%add3A_228, %dma_wait3A_233] : memref<204800x64xf32, #tpu.memory_space<hbm>> -> memref<800x64xf32, #tpu.memory_space<hbm>>
    %dma_wait3A_235 = arith.constant 0 : i32
    %dma_wait3A_236 = tpu.memref_slice %arg9[%add3A_228, %dma_wait3A_235] : memref<204800x64xf32, #tpu.memory_space<hbm>> -> memref<800x64xf32, #tpu.memory_space<hbm>>
    tpu.wait_dma2 semaphore(%arg21 : memref<!tpu.dma_semaphore, #tpu.memory_space<semaphore_mem>>) src(%arg17 : memref<800x64xf32, #tpu.memory_space<vmem>>) dst(%dma_wait3A_236 : memref<800x64xf32, #tpu.memory_space<hbm>>)
    %dma_wait3A_237 = arith.constant 0 : i32
    %dma_wait3A_238 = tpu.memref_slice %arg9[%add3A_213, %dma_wait3A_237] : memref<204800x64xf32, #tpu.memory_space<hbm>> -> memref<800x64xf32, #tpu.memory_space<hbm>>
    %dma_wait3A_239 = arith.constant 0 : i32
    %dma_wait3A_240 = tpu.memref_slice %arg9[%add3A_213, %dma_wait3A_239] : memref<204800x64xf32, #tpu.memory_space<hbm>> -> memref<800x64xf32, #tpu.memory_space<hbm>>
    tpu.wait_dma2 semaphore(%arg20 : memref<!tpu.dma_semaphore, #tpu.memory_space<semaphore_mem>>) src(%arg16 : memref<800x64xf32, #tpu.memory_space<vmem>>) dst(%dma_wait3A_240 : memref<800x64xf32, #tpu.memory_space<hbm>>)
    return
  }
}

</mosaic_0001>

<sc_bundles>
// kernel: kernel.3.cloned.1.call-start
scs
__scs_entry_jumppad:
0x0: {  	(pc) =	sbr.rel $0x88, $3  }
0x1: {  	(tag) =	ssettag $0x0;
	lr =	simm.s32 $0x1  }
0x2: {  	[smem:$0x3F99] =	sst lr;
	_ =	strace $0xD0000000  }
0x3: {  	_ = 	snop  }
0x4: {  	_ = 	snop  }
0x5: {  	_ = 	snop  }
0x6: {  	_ = 	snop  }
0x7: {  	_ = 	snop  }
__scs_overlays_trampoline_lowered:
0x8: {  	[smem:$0x3FA8] =	sst s0  }
0x9: {  	[smem:$0x3FA9] =	sst s1  }
0xa: {  	[smem:$0x3FAA] =	sst s2  }
0xb: {  	[smem:$0x3FAB] =	sst s3  }
0xc: {  	[smem:$0x3FAC] =	sst s4  }
0xd: {  	[smem:$0x3FAD] =	sst s5  }
0xe: {  	[smem:$0x3FAE] =	sst s6  }
0xf: {  	[smem:$0x3FAF] =	sst s7  }
0x10: {  	[smem:$0x3FB0] =	sst s8  }
0x11: {  	[smem:$0x3FB1] =	sst s9;
	s0 =	simm.s32 @!p0 $0x0  }
0x12: {  	s1 =	sld [smem:$0x3F97];
	s0 =	simm.s32 @p0 $0x1  }
0x13: {  	[smem:$0x3FB2] =	sst s0;
	s0 =	simm.s32 @!p1 $0x0  }
0x14: {  	s2 =	sld [smem:$0x3F96];
	s0 =	simm.s32 @p1 $0x1  }
0x15: {  	[smem:$0x3FB3] =	sst s0;
	s0 =	simm.s32 @!p2 $0x0  }
0x16: {  	s3 =	sld [smem:$0x3FDB];
	s0 =	simm.s32 @p2 $0x1  }
0x17: {  	s4 =	simm.s32 $0x1BF5;
	[smem:$0x3FB5] =	sst s0  }
0x18: {  	s0 =	sld [smem:$0x3F98];
	_ =	swait.ge [sflag:s4], $0x0  }
0x19: {  	s7 =	sld [smem:$0x3F99]  }
0x1a: {  	s8 =	sadd.s32 $0xFFFFE003, lr  }
0x1b: {  	s9 =	sadd.s32 $0xFFFFFEF7, lr;
	s5 =	simm.s32 $0xFFFFFFFF;
	p2 =	slt.u32 s8, $0xFFFFF086  }
0x1c: {  	p1 =	slt.u32 s9, $0xF7A;
	s5 =	simm.s32 @!p2 $0x0  }
0x1d: {  	s5 =	simm.s32 @p1 $0x1;
	p0 =	seq.s32 s7, s2  }
0x1e: {  	s7 =	smul.u32 @!p0 $0xF7A, s2;
	p2 =	seq.s32 @!p0 s5, $0x0  }
0x1f: {  	s9 =	smul.u32 $0xF7A, s1;
	s8 =	simm.s32 @!p0 $0x1BF5;
	p2 =	por !p2, p0  }
0x20: {  	[sflag:s8] =	ssyncset.s32 @!p0 $0xFFFFF086;
	s6 =	sadd.s32 @!p0 s3, s7;
	s7 =	simm.s32 @!p0 $0x108  }
0x21: {  	s3 =	sadd.s32 s3, s9;
	s6 =	sadd.s32 @!p0 $0x88, s6;
	s7 =	simm.s32 @p2 $0x1082  }
0x22: {  	[simem:s7], [sflag:s8] =	dma.local @!p0 [hbm:s6], $0xF7A  }
0x23: {  	s9 =	sor.u32 $0xD0000000, s2;
	s6 =	simm.s32 $0x108;
	_ =	swait.ge @!p0 [sflag:s8], $0x0  }
0x24: {  	s3 =	sadd.s32 $0x88, s3;
	s6 =	simm.s32 @!p1 $0x1082;
	[sflag:s4] =	ssyncset.s32 $0xFFFFF086  }
0x25: {  	[simem:s6], [sflag:s4] =	dma.local [hbm:s3], $0xF7A  }
0x26: {  	[smem:$0x3F99] =	sst s1;
	(tag) =	ssettag s2;
	_ =	strace s9  }
0x27: {  	s1 =	sld [smem:$0x3FA9]  }
0x28: {  	s2 =	sld [smem:$0x3FAA]  }
0x29: {  	s4 =	sld [smem:$0x3FAC]  }
0x2a: {  	p0 =	seq.s32 s5, $0x0;
	s5 =	sld [smem:$0x3FAD]  }
0x2b: {  	s6 =	sld [smem:$0x3FAE]  }
0x2c: {  	s7 =	sld [smem:$0x3FAF]  }
0x2d: {  	s3 =	simm.s32 $0x108;
	s8 =	sld [smem:$0x3FB0]  }
0x2e: {  	s3 =	simm.s32 @!p0 $0x1082;
	s9 =	sld [smem:$0x3FB1]  }
0x2f: {  	lr =	sadd.s32 s0, s3;
	s0 =	sld [smem:$0x3FA8]  }
0x30: {  	s3 =	sld [smem:$0x3FAB]  }
0x31: {  	[smem:$0x3FB4] =	sst s10  }
0x32: {  	s10 =	sld [smem:$0x3FB2];
	_ =	sdelay $0x3  }
0x33: {  	p0 =	seq.s32 s10, $0x1;
	s10 =	sld [smem:$0x3FB4];
	_ =	sdelay $0x3  }
0x34: {  	[smem:$0x3FB4] =	sst s10  }
0x35: {  	s10 =	sld [smem:$0x3FB3];
	_ =	sdelay $0x3  }
0x36: {  	p1 =	seq.s32 s10, $0x1;
	s10 =	sld [smem:$0x3FB4];
	_ =	sdelay $0x3  }
0x37: {  	[smem:$0x3FB4] =	sst s10  }
0x38: {  	s10 =	sld [smem:$0x3FB5]  }
0x39: {  	_ = 	snop;
	(pc) =	sbr.ind lr, $3  }
0x3a: {  	_ = 	snop  }
0x3b: {  	_ = 	snop  }
0x3c: {  	p2 =	seq.s32 s10, $0x1;
	s10 =	sld [smem:$0x3FB4]  }
0x3d: {  	_ =	shalt  }
0x3e: {  	_ =	shalt  }
0x3f: {  	_ =	shalt  }
0x40: {  	_ =	shalt  }
0x41: {  	_ =	shalt  }
0x42: {  	_ =	shalt  }
0x43: {  	_ =	shalt  }
0x44: {  	_ =	shalt  }
0x45: {  	_ =	shalt  }
0x46: {  	_ =	shalt  }
0x47: {  	_ =	shalt  }
0x48: {  	_ =	shalt  }
0x49: {  	_ =	shalt  }
0x4a: {  	_ =	shalt  }
0x4b: {  	_ =	shalt  }
0x4c: {  	_ =	shalt  }
0x4d: {  	_ =	shalt  }
0x4e: {  	_ =	shalt  }
0x4f: {  	_ =	shalt  }
0x50: {  	_ =	shalt  }
0x51: {  	_ =	shalt  }
0x52: {  	_ =	shalt  }
0x53: {  	_ =	shalt  }
0x54: {  	_ =	shalt  }
0x55: {  	_ =	shalt  }
0x56: {  	_ =	shalt  }
0x57: {  	_ =	shalt  }
0x58: {  	_ =	shalt  }
0x59: {  	_ =	shalt  }
0x5a: {  	_ =	shalt  }
0x5b: {  	_ =	shalt  }
0x5c: {  	_ =	shalt  }
0x5d: {  	_ =	shalt  }
0x5e: {  	_ =	shalt  }
0x5f: {  	_ =	shalt  }
0x60: {  	_ =	shalt  }
0x61: {  	_ =	shalt  }
0x62: {  	_ =	shalt  }
0x63: {  	_ =	shalt  }
0x64: {  	_ =	shalt  }
0x65: {  	_ =	shalt  }
0x66: {  	_ =	shalt  }
0x67: {  	_ =	shalt  }
0x68: {  	_ =	shalt  }
0x69: {  	_ =	shalt  }
0x6a: {  	_ =	shalt  }
0x6b: {  	_ =	shalt  }
0x6c: {  	_ =	shalt  }
0x6d: {  	_ =	shalt  }
0x6e: {  	_ =	shalt  }
0x6f: {  	_ =	shalt  }
0x70: {  	_ =	shalt  }
0x71: {  	_ =	shalt  }
0x72: {  	_ =	shalt  }
0x73: {  	_ =	shalt  }
0x74: {  	_ =	shalt  }
0x75: {  	_ =	shalt  }
0x76: {  	_ =	shalt  }
0x77: {  	_ =	shalt  }
0x78: {  	_ =	shalt  }
0x79: {  	_ =	shalt  }
0x7a: {  	_ =	shalt  }
0x7b: {  	_ =	shalt  }
0x7c: {  	_ =	shalt  }
0x7d: {  	_ =	shalt  }
0x7e: {  	_ =	shalt  }
0x7f: {  	_ =	shalt  }
0x80: {  	_ =	shalt  }
0x81: {  	_ =	shalt  }
0x82: {  	_ =	shalt  }
0x83: {  	_ =	shalt  }
0x84: {  	_ =	shalt  }
0x85: {  	_ =	shalt  }
0x86: {  	_ =	shalt  }
0x87: {  	_ =	shalt  }
.Lfunc_end0:
.L_simem_size_0:
called_computation.1_lowered:
.L_overlay_start_0:
0x88: {  	s2 =	sld [smem:$0x3FD9]  }
0x89: {  	s3 =	sld [smem:$0x3FFE];
	_ =	sdelay $0x1  }
0x8a: {  	s1 =	srdreg.scid  }
0x8b: {  	s0 =	sand.u32 $0x1, s1  }
0x8c: {  	s17 =	sshll.u32 s0, $0xA;
	s2 =	sadd.s32 s3, s2  }
0x8d: {  	s2 =	sadd.s32 s2, s17  }
0x8e: {  	[smem:$0x3FC0] =	sst s2  }
0x8f: {  	_ = 	snop  }
0x90: {  	s2 =	sld [smem:$0x3FD0];
	(tm) =	ssettm $0x1  }
0x91: {  	s18 =	sld [smem:$0x3FFB];
	_ =	sdelay $0x3  }
0x92: {  	_ =	strace s18  }
0x93: {  	s3 =	sld [smem:$0x3FFC];
	_ =	sdelay $0x3  }
0x94: {  	_ =	strace s3  }
0x95: {  	s3 =	sld [smem:$0x3FFD];
	_ =	sdelay $0x3  }
0x96: {  	_ =	strace s3  }
0x97: {  	_ =	strace $0x8FFFFFFF  }
0x98: {  	s19 =	sld [smem:$0x3FDB];
	_ =	sdelay $0x1  }
0x99: {  	s4 =	simm.s32 $_scs_section_size  }
0x9a: {  	s5 =	simm.s32 $_size__tile_overlayer_lowered;
	s6 =	simm.s32 $_tile_overlayer_lowered  }
0x9b: {  	s22 =	simm.s32 $0x1BFF;
	s21 =	sshll.u32 s6, $0x1;
	s3 =	sadd.s32 s4, s19  }
0x9c: {  	s7 =	simm.s32 $0x0;
	s20 =	sshll.u32 s5, $0x1;
	s5 =	sadd.s32 s21, s3  }
0x9d: {  	[timem:s7], [sflag:s22] =	dma.local [hbm:s5], s20  }
0x9e: {  	_ =	swait.ge [sflag:s22], s20  }
0x9f: {  	s4 =	ssub.s32 $0x0, s20;
	[sflag:s22] =	ssyncset.done $0x0  }
0xa0: {  	[sflag:s22] =	ssyncadd.s32 s4;
	_ =	sdelay $0x1  }
0xa1: {  	s23 =	simm.s32 $0x1B8B  }
0xa2: {  	_ =	swait.ge [sflag:s23], $0x1  }
0xa3: {  	[sflag:s23] =	ssyncset.done $0x0  }
0xa4: {  	s25 =	simm.s32 $0x1B8E;
	s24 =	sld [smem:$0x3FFE];
	[sflag:s23] =	ssyncadd.s32 $0xFFFFFFFF  }
0xa5: {  	s26 =	simm.s32 $execute0_lowered;
	[smem:$0x3FD2] =	sst s25  }
0xa6: {  	s5 =	sshll.u32 s26, $0x1;
	_ =	strace $0x80000046;
	[dreg:$0x1] =	wrdreg $0xFFFFFFFF  }
0xa7: {  	s28 =	simm.s32 $_size_execute0_lowered;
	s3 =	sadd.s32 s3, s5;
	[dreg:$0x0] =	wrdreg $0x0  }
0xa8: {  	s5 =	sshll.u32 s28, $0x1;
	[dreg:$0x2] =	wrdreg s3  }
0xa9: {  	[dreg:$0x3] =	wrdreg s5  }
0xaa: {  	[dreg:$0x4] =	wrdreg $0xC0  }
0xab: {  	_ =	task [dreg:s7], $0x5FFFF  }
0xac: {  	[dreg:$0x1] =	wrdreg $0xFFFFFFFF  }
0xad: {  	[dreg:$0x0] =	wrdreg $0x60  }
0xae: {  	[dreg:$0x2] =	wrdreg s24  }
0xaf: {  	[dreg:$0x3] =	wrdreg s2  }
0xb0: {  	[dreg:$0x4] =	wrdreg $0x9  }
0xb1: {  	_ =	task.clear_ibuf [dreg:s7], $0x5FFFF;
	_ =	strace $0x90000046  }
0xb2: {  	s29 =	simm.s32 $0x9;
	_ =	strace $0x80000048  }
0xb3: {  	_ =	swait.ge [sflag:s29], $0x1  }
0xb4: {  	[sflag:s29] =	ssyncadd.s32 $0xFFFFFFFF  }
0xb5: {  	_ =	strace $0x90000048  }
0xb6: {  	_ =	sfence  }
0xb7: {  	s30 =	sld [smem:$0x0];
	_ =	sdelay $0x2  }
0xb8: {  	s31 =	sshll.u32 s1, $0xD;
	s1 =	sshrl.u32 s1, $0x2  }
0xb9: {  	s3 =	sand.u32 $0x4000, s31;
	s1 =	sadd.s32 s1, s30  }
0xba: {  	s0 =	sor.u32 s3, s0;
	s1 =	sshll.u32 s1, $0x11  }
0xbb: {  	s0 =	sor.u32 s1, s0  }
0xbc: {  	s0 =	sadd.s32 $0x8F2B, s0  }
0xbd: {  	[sflag:s0] =	ssyncadd.remote.s32 $0x1  }
0xbe: {  	_ =	sfence.sel $0xFFFF  }
0xbf: {  	[dreg:$0x0] =	wrdreg $0xFFFFFFFF;
	(pc) =	sbr.abs _section_cstart, $3  }
0xc0: {  	[dreg:$0x1] =	wrdreg $0xFFFFFFFF  }
0xc1: {  	_ =	task.clear_ibuf [dreg:s7], $0x2FFFF;
	_ =	strace $0x9FFFFFFF  }
0xc2: {  	(tm) =	ssettm $0x7FFFFFFF  }
0xc3: {  	_ =	shalt  }
tec
execute0_lowered:
.L_overlay_start_1:
0x0: {  	(tag) =	ssettag $0x1  }
0x1: {  	s0 =	srdreg.scid;
	s1 =	stileid.u32  }
0x2: {  	s0 =	sand.u32 $0x1, s0;
	s2 =	sshll.u32 s1, $0x1  }
0x3: {  	s6 =	rddreg [dreg:$0x0];
	s3 =	sor.u32 s0, s2  }
0x4: {  	p0 =	por $0x0, $0x0;
	s1 =	rddreg [dreg:$0x1];
	s10 =	smul.u32 $0x1900, s3  }
0x5: {  	s7 =	sadd.s32 $0x4200, s6;
	s9 =	sadd.s32 $0xA600, s6;
	s3 =	smul.u32 $0xC800, s3  }
0x6: {  	s8 =	sadd.s32 $0x10A00, s6;
	s2 =	simm.s32 $0x0;
	s0 =	ssub.s32 $0x2, s0  }
0x7: {  	[smem:$0x7FF] =	sst s2;
	s4 =	sshrl.u32 s10, $0x3;
	s3 =	sadd.s32 s1, s3  }
0x8: {  	_ =	strace $0x80000047;
	s5 =	sadd.s32 s7, s4;
	[dreg:$0x9] =	wrdreg s3  }
0x9: {  	s11 =	sadd.s32 $0x320, s10;
	s23 =	sadd.s32 s9, s4;
	[dreg:$0x3] =	wrdreg s5  }
0xa: {  	s4 =	sadd.s32 s8, s4;
	s24 =	sshrl.u32 s11, $0x3;
	[dreg:$0x4] =	wrdreg s23  }
0xb: {  	s13 =	sadd.s32 $0x640, s10;
	[dreg:$0x5] =	wrdreg s4;
	s25 =	sadd.s32 s7, s24  }
0xc: {  	s19 =	sadd.s32 $0x960, s10;
	s26 =	sadd.s32 s9, s24;
	[dreg:$0x6] =	wrdreg s25  }
0xd: {  	s14 =	sshrl.u32 s13, $0x3;
	s12 =	sadd.s32 s8, s24;
	[dreg:$0x7] =	wrdreg s26  }
0xe: {  	s18 =	sshll.u32 s11, $0x3;
	s15 =	sadd.s32 s7, s14;
	[dreg:$0x8] =	wrdreg s12  }
0xf: {  	s21 =	sshrl.u32 s19, $0x3;
	s16 =	sadd.s32 s9, s14;
	[dreg:$0xa] =	wrdreg s15  }
0x10: {  	s3 =	sadd.s32 $0x16E00, s6;
	s17 =	sadd.s32 s8, s14;
	[dreg:$0xb] =	wrdreg s16  }
0x11: {  	s11 =	sshll.u32 s19, $0x3;
	s20 =	sadd.s32 s1, s18;
	[dreg:$0xc] =	wrdreg s17  }
0x12: {  	s22 =	sadd.s32 s7, s21;
	s4 =	sadd.s32 s8, s21;
	[dreg:$0xd] =	wrdreg s20  }
0x13: {  	s5 =	sshll.u32 s13, $0x3;
	s23 =	sadd.s32 $0xC80, s10;
	[dreg:$0xe] =	wrdreg s22  }
0x14: {  	s11 =	sadd.s32 s1, s11;
	s12 =	sadd.s32 s9, s21;
	[dreg:$0x10] =	wrdreg s4  }
0x15: {  	s5 =	sadd.s32 s1, s5;
	s13 =	sshrl.u32 s23, $0x3;
	s4 =	sadd.s32 $0xDA400, s6  }
0x16: {  	s25 =	sadd.s32 $0xFA0, s10;
	s15 =	sshrl.u32 s0, $0x1;
	[dreg:$0x15] =	wrdreg s11  }
0x17: {  	s17 =	sadd.s32 $0x12C0, s10;
	s10 =	sadd.s32 $0x15E0, s10;
	[dreg:$0xf] =	wrdreg s12  }
0x18: {  	s11 =	simm.s32 $0x4;
	[dreg:$0x11] =	wrdreg s5;
	s14 =	sadd.s32 s7, s13  }
0x19: {  	s5 =	sadd.s32 $0x19DA00, s6;
	s24 =	sadd.s32 s9, s13;
	s6 =	sadd.s32 $0x2800, s6  }
0x1a: {  	s13 =	sadd.s32 s8, s13;
	s26 =	sshrl.u32 s25, $0x3;
	s0 =	ssub.s32 s0, s15  }
0x1b: {  	s12 =	sshll.u32 s23, $0x3;
	s18 =	sshrl.u32 s17, $0x3;
	[dreg:$0x12] =	wrdreg s14  }
0x1c: {  	s19 =	sshll.u32 s25, $0x3;
	s20 =	sshrl.u32 s10, $0x3;
	[dreg:$0x13] =	wrdreg s24  }
0x1d: {  	s25 =	sshll.u32 s17, $0x3;
	s15 =	simm.s32 $0x5;
	[dreg:$0x14] =	wrdreg s13  }
0x1e: {  	s16 =	sadd.s32 s7, s26;
	s31 =	sadd.s32 s9, s26;
	s30 =	sadd.s32 s8, s26  }
0x1f: {  	s29 =	sadd.s32 s1, s12;
	s28 =	sadd.s32 s7, s18;
	s24 =	sadd.s32 s9, s18  }
0x20: {  	s23 =	sadd.s32 s8, s18;
	s22 =	sadd.s32 s1, s19;
	s21 =	sadd.s32 s7, s20  }
0x21: {  	s19 =	sadd.s32 s9, s20;
	s17 =	sadd.s32 s8, s20;
	s0 =	smax.u32 s0, $0x1  }
0x22: {  	s8 =	sadd.s32 s1, s25;
	s26 =	sshll.u32 s10, $0x3;
	p1 =	sne.s32 s0, $0x1  }
.Ltmp0:
0x23: {  	s25 =	simm.s32 $0x640;
	s12 =	simm.s32 $0x12C0;
	(pc) =	sbr.rel @!p1 .LBB2_3-.Ltmp0, $4  }
0x24: {  	s18 =	simm.s32 $0x960;
	s20 =	simm.s32 $0xFA0;
	s10 =	simm.s32 $0xDAC0  }
0x25: {  	s14 =	simm.s32 $0x1;
	s9 =	simm.s32 $0x3;
	s13 =	simm.s32 $0x2  }
0x26: {  	[dreg:$0x16] =	wrdreg s16;
	s7 =	sadd.s32 s1, s26;
	s26 =	simm.s32 $0xC80  }
0x27: {  	s16 =	simm.s32 $0x320;
	s1 =	sadd.s32 $0xFFFFFFFF, s0;
	s0 =	rddreg [dreg:$0x3]  }
0x28: {  	[tilespmem:s2], [sflag:$0x5] =	stream.linear.gather [hbm4b:s0+s2], $0x320, $0x38;
	[tilespmem:$0x1A2C0] =	vst v63  }
0x29: {  	_ =	swait.ge [sflag:s15], $0x320  }
0x2a: {  	[sflag:s15] =	ssyncset.done $0x0  }
0x2b: {  	s0 =	rddreg [dreg:$0x4];
	[sflag:s15] =	ssyncadd.s32 $0xFFFFFCE0  }
0x2c: {  	[tilespmem:s25], [sflag:$0x5] =	stream.linear.gather [hbm4b:s0+s2], $0x320, $0x38;
	[tilespmem:$0x1A2C0] =	vst v63  }
0x2d: {  	_ =	swait.ge [sflag:s15], $0x320  }
0x2e: {  	[sflag:s15] =	ssyncset.done $0x0  }
0x2f: {  	s0 =	rddreg [dreg:$0x5];
	[sflag:s15] =	ssyncadd.s32 $0xFFFFFCE0  }
0x30: {  	[tilespmem:s26], [sflag:$0x5] =	stream.linear.gather [hbm4b:s0+s2], $0x320, $0x38;
	[tilespmem:$0x1A2C0] =	vst v63  }
0x31: {  	_ =	swait.ge [sflag:s15], $0x320  }
0x32: {  	[sflag:s15] =	ssyncset.done $0x0  }
0x33: {  	[sflag:s15] =	ssyncadd.s32 $0xFFFFFCE0  }
0x34: {  	[tilespmem:s12], [sflag:$0x5] =	stream.linear.gather [hbm4b:s6+s2], $0xC800, $0x38;
	[tilespmem:$0x1A2C0] =	vst v63  }
0x35: {  	_ =	swait.ge [sflag:s15], $0xC800  }
0x36: {  	[sflag:s15] =	ssyncset.done $0x0  }
0x37: {  	[sflag:s15] =	ssyncadd.s32 $0xFFFF3800  }
0x38: {  	[tilespmem:s12], [sflag:$0x1] =	stream.indirect.gather.add.f32 [hbm:s3], $0x40, s2, s16, $0xb8;
	[tilespmem:$0x1A2C0] =	vst v63  }
0x39: {  	_ = 	snop  }
0x3a: {  	[tilespmem:s12], [sflag:$0x1] =	stream.indirect.gather.add.f32 [hbm:s4], $0x40, s25, s16, $0xb8;
	[tilespmem:$0x1A2C0] =	vst v63  }
0x3b: {  	_ = 	snop  }
0x3c: {  	[tilespmem:s12], [sflag:$0x1] =	stream.indirect.gather.add.f32 [hbm:s5], $0x40, s26, s16, $0xb8;
	[tilespmem:$0x1A2C0] =	vst v63  }
0x3d: {  	s0 =	rddreg [dreg:$0x6]  }
0x3e: {  	[tilespmem:s16], [sflag:$0x5] =	stream.linear.gather [hbm4b:s0+s2], $0x320, $0x38;
	[tilespmem:$0x1A2C0] =	vst v63  }
0x3f: {  	_ =	swait.ge [sflag:s15], $0x320  }
0x40: {  	[sflag:s15] =	ssyncset.done $0x0  }
0x41: {  	s0 =	rddreg [dreg:$0x7];
	[sflag:s15] =	ssyncadd.s32 $0xFFFFFCE0  }
0x42: {  	[tilespmem:s18], [sflag:$0x5] =	stream.linear.gather [hbm4b:s0+s2], $0x320, $0x38;
	[tilespmem:$0x1A2C0] =	vst v63  }
0x43: {  	_ =	swait.ge [sflag:s15], $0x320  }
0x44: {  	[sflag:s15] =	ssyncset.done $0x0  }
0x45: {  	s0 =	rddreg [dreg:$0x8];
	[sflag:s15] =	ssyncadd.s32 $0xFFFFFCE0  }
0x46: {  	[tilespmem:s20], [sflag:$0x5] =	stream.linear.gather [hbm4b:s0+s2], $0x320, $0x38;
	[tilespmem:$0x1A2C0] =	vst v63  }
0x47: {  	_ =	swait.ge [sflag:s15], $0x320  }
0x48: {  	[sflag:s15] =	ssyncset.done $0x0  }
0x49: {  	[sflag:s15] =	ssyncadd.s32 $0xFFFFFCE0  }
0x4a: {  	[tilespmem:s10], [sflag:$0x5] =	stream.linear.gather [hbm4b:s6+s2], $0xC800, $0x38;
	[tilespmem:$0x1A2C0] =	vst v63  }
0x4b: {  	_ =	swait.ge [sflag:s15], $0xC800  }
0x4c: {  	[sflag:s15] =	ssyncset.done $0x0  }
0x4d: {  	[sflag:s15] =	ssyncadd.s32 $0xFFFF3800  }
0x4e: {  	[tilespmem:s10], [sflag:$0x2] =	stream.indirect.gather.add.f32 [hbm:s3], $0x40, s16, s16, $0xb8;
	[tilespmem:$0x1A2C0] =	vst v63  }
0x4f: {  	_ = 	snop  }
0x50: {  	[tilespmem:s10], [sflag:$0x2] =	stream.indirect.gather.add.f32 [hbm:s4], $0x40, s18, s16, $0xb8;
	[tilespmem:$0x1A2C0] =	vst v63  }
0x51: {  	_ = 	snop  }
0x52: {  	[tilespmem:s10], [sflag:$0x2] =	stream.indirect.gather.add.f32 [hbm:s5], $0x40, s20, s16, $0xb8;
	[tilespmem:$0x1A2C0] =	vst v63  }
0x53: {  	_ =	swait.ge [sflag:s14], $0xC800  }
0x54: {  	[sflag:s14] =	ssyncset.done $0x0  }
0x55: {  	[sflag:s14] =	ssyncadd.s32 $0xFFFF3800  }
0x56: {  	_ =	swait.ge [sflag:s14], $0xC800  }
0x57: {  	[sflag:s14] =	ssyncset.done $0x0  }
0x58: {  	[sflag:s14] =	ssyncadd.s32 $0xFFFF3800  }
0x59: {  	_ =	swait.ge [sflag:s14], $0xC800  }
0x5a: {  	[sflag:s14] =	ssyncset.done $0x0  }
0x5b: {  	s0 =	rddreg [dreg:$0x9];
	[sflag:s14] =	ssyncadd.s32 $0xFFFF3800  }
0x5c: {  	[hbm4b:s0+s2] =	stream.linear.scatter [tilespmem:s12], [sflag:$0x3], $0xC800, $0x38;
	[tilespmem:$0x1A2C0] =	vst v63  }
0x5d: {  	_ =	swait.ge [sflag:s9], $0xC800  }
0x5e: {  	[sflag:s9] =	ssyncset.done $0x0  }
0x5f: {  	s0 =	rddreg [dreg:$0xa];
	[sflag:s9] =	ssyncadd.s32 $0xFFFF3800  }
0x60: {  	[tilespmem:s2], [sflag:$0x5] =	stream.linear.gather [hbm4b:s0+s2], $0x320, $0x38;
	[tilespmem:$0x1A2C0] =	vst v63  }
0x61: {  	_ =	swait.ge [sflag:s15], $0x320  }
0x62: {  	[sflag:s15] =	ssyncset.done $0x0  }
0x63: {  	s0 =	rddreg [dreg:$0xb];
	[sflag:s15] =	ssyncadd.s32 $0xFFFFFCE0  }
0x64: {  	[tilespmem:s25], [sflag:$0x5] =	stream.linear.gather [hbm4b:s0+s2], $0x320, $0x38;
	[tilespmem:$0x1A2C0] =	vst v63  }
0x65: {  	_ =	swait.ge [sflag:s15], $0x320  }
0x66: {  	[sflag:s15] =	ssyncset.done $0x0  }
0x67: {  	s0 =	rddreg [dreg:$0xc];
	[sflag:s15] =	ssyncadd.s32 $0xFFFFFCE0  }
0x68: {  	[tilespmem:s26], [sflag:$0x5] =	stream.linear.gather [hbm4b:s0+s2], $0x320, $0x38;
	[tilespmem:$0x1A2C0] =	vst v63  }
0x69: {  	_ =	swait.ge [sflag:s15], $0x320  }
0x6a: {  	[sflag:s15] =	ssyncset.done $0x0  }
0x6b: {  	[sflag:s15] =	ssyncadd.s32 $0xFFFFFCE0  }
0x6c: {  	[tilespmem:s12], [sflag:$0x5] =	stream.linear.gather [hbm4b:s6+s2], $0xC800, $0x38;
	[tilespmem:$0x1A2C0] =	vst v63  }
0x6d: {  	_ =	swait.ge [sflag:s15], $0xC800  }
0x6e: {  	[sflag:s15] =	ssyncset.done $0x0  }
0x6f: {  	[sflag:s15] =	ssyncadd.s32 $0xFFFF3800  }
0x70: {  	[tilespmem:s12], [sflag:$0x1] =	stream.indirect.gather.add.f32 [hbm:s3], $0x40, s2, s16, $0xb8;
	[tilespmem:$0x1A2C0] =	vst v63  }
0x71: {  	_ = 	snop  }
0x72: {  	[tilespmem:s12], [sflag:$0x1] =	stream.indirect.gather.add.f32 [hbm:s4], $0x40, s25, s16, $0xb8;
	[tilespmem:$0x1A2C0] =	vst v63  }
0x73: {  	_ = 	snop  }
0x74: {  	[tilespmem:s12], [sflag:$0x1] =	stream.indirect.gather.add.f32 [hbm:s5], $0x40, s26, s16, $0xb8;
	[tilespmem:$0x1A2C0] =	vst v63  }
0x75: {  	_ =	swait.ge [sflag:s13], $0xC800  }
0x76: {  	[sflag:s13] =	ssyncset.done $0x0  }
0x77: {  	[sflag:s13] =	ssyncadd.s32 $0xFFFF3800  }
0x78: {  	_ =	swait.ge [sflag:s13], $0xC800  }
0x79: {  	[sflag:s13] =	ssyncset.done $0x0  }
0x7a: {  	[sflag:s13] =	ssyncadd.s32 $0xFFFF3800  }
0x7b: {  	_ =	swait.ge [sflag:s13], $0xC800  }
0x7c: {  	[sflag:s13] =	ssyncset.done $0x0  }
0x7d: {  	s0 =	rddreg [dreg:$0xd];
	[sflag:s13] =	ssyncadd.s32 $0xFFFF3800  }
0x7e: {  	[hbm4b:s0+s2] =	stream.linear.scatter [tilespmem:s10], [sflag:$0x4], $0xC800, $0x38;
	[tilespmem:$0x1A2C0] =	vst v63  }
0x7f: {  	_ =	swait.ge [sflag:s11], $0xC800  }
0x80: {  	[sflag:s11] =	ssyncset.done $0x0  }
0x81: {  	s0 =	rddreg [dreg:$0xe];
	[sflag:s11] =	ssyncadd.s32 $0xFFFF3800  }
0x82: {  	[tilespmem:s16], [sflag:$0x5] =	stream.linear.gather [hbm4b:s0+s2], $0x320, $0x38;
	[tilespmem:$0x1A2C0] =	vst v63  }
0x83: {  	_ =	swait.ge [sflag:s15], $0x320  }
0x84: {  	[sflag:s15] =	ssyncset.done $0x0  }
0x85: {  	s0 =	rddreg [dreg:$0xf];
	[sflag:s15] =	ssyncadd.s32 $0xFFFFFCE0  }
0x86: {  	[tilespmem:s18], [sflag:$0x5] =	stream.linear.gather [hbm4b:s0+s2], $0x320, $0x38;
	[tilespmem:$0x1A2C0] =	vst v63  }
0x87: {  	_ =	swait.ge [sflag:s15], $0x320  }
0x88: {  	[sflag:s15] =	ssyncset.done $0x0  }
0x89: {  	s0 =	rddreg [dreg:$0x10];
	[sflag:s15] =	ssyncadd.s32 $0xFFFFFCE0  }
0x8a: {  	[tilespmem:s20], [sflag:$0x5] =	stream.linear.gather [hbm4b:s0+s2], $0x320, $0x38;
	[tilespmem:$0x1A2C0] =	vst v63  }
0x8b: {  	_ =	swait.ge [sflag:s15], $0x320  }
0x8c: {  	[sflag:s15] =	ssyncset.done $0x0  }
0x8d: {  	[sflag:s15] =	ssyncadd.s32 $0xFFFFFCE0  }
0x8e: {  	[tilespmem:s10], [sflag:$0x5] =	stream.linear.gather [hbm4b:s6+s2], $0xC800, $0x38;
	[tilespmem:$0x1A2C0] =	vst v63  }
0x8f: {  	_ =	swait.ge [sflag:s15], $0xC800  }
0x90: {  	[sflag:s15] =	ssyncset.done $0x0  }
0x91: {  	[sflag:s15] =	ssyncadd.s32 $0xFFFF3800  }
0x92: {  	[tilespmem:s10], [sflag:$0x2] =	stream.indirect.gather.add.f32 [hbm:s3], $0x40, s16, s16, $0xb8;
	[tilespmem:$0x1A2C0] =	vst v63  }
0x93: {  	_ = 	snop  }
0x94: {  	[tilespmem:s10], [sflag:$0x2] =	stream.indirect.gather.add.f32 [hbm:s4], $0x40, s18, s16, $0xb8;
	[tilespmem:$0x1A2C0] =	vst v63  }
0x95: {  	_ = 	snop  }
0x96: {  	[tilespmem:s10], [sflag:$0x2] =	stream.indirect.gather.add.f32 [hbm:s5], $0x40, s20, s16, $0xb8;
	[tilespmem:$0x1A2C0] =	vst v63  }
0x97: {  	_ =	swait.ge [sflag:s14], $0xC800  }
0x98: {  	[sflag:s14] =	ssyncset.done $0x0  }
0x99: {  	[sflag:s14] =	ssyncadd.s32 $0xFFFF3800  }
0x9a: {  	_ =	swait.ge [sflag:s14], $0xC800  }
0x9b: {  	[sflag:s14] =	ssyncset.done $0x0  }
0x9c: {  	[sflag:s14] =	ssyncadd.s32 $0xFFFF3800  }
0x9d: {  	_ =	swait.ge [sflag:s14], $0xC800  }
0x9e: {  	[sflag:s14] =	ssyncset.done $0x0  }
0x9f: {  	s0 =	rddreg [dreg:$0x11];
	[sflag:s14] =	ssyncadd.s32 $0xFFFF3800  }
0xa0: {  	[hbm4b:s0+s2] =	stream.linear.scatter [tilespmem:s12], [sflag:$0x3], $0xC800, $0x38;
	[tilespmem:$0x1A2C0] =	vst v63  }
0xa1: {  	_ =	swait.ge [sflag:s9], $0xC800  }
0xa2: {  	[sflag:s9] =	ssyncset.done $0x0  }
0xa3: {  	s0 =	rddreg [dreg:$0x12];
	[sflag:s9] =	ssyncadd.s32 $0xFFFF3800  }
0xa4: {  	[tilespmem:s2], [sflag:$0x5] =	stream.linear.gather [hbm4b:s0+s2], $0x320, $0x38;
	[tilespmem:$0x1A2C0] =	vst v63  }
0xa5: {  	_ =	swait.ge [sflag:s15], $0x320  }
0xa6: {  	[sflag:s15] =	ssyncset.done $0x0  }
0xa7: {  	s0 =	rddreg [dreg:$0x13];
	[sflag:s15] =	ssyncadd.s32 $0xFFFFFCE0  }
0xa8: {  	[tilespmem:s25], [sflag:$0x5] =	stream.linear.gather [hbm4b:s0+s2], $0x320, $0x38;
	[tilespmem:$0x1A2C0] =	vst v63  }
0xa9: {  	_ =	swait.ge [sflag:s15], $0x320  }
0xaa: {  	[sflag:s15] =	ssyncset.done $0x0  }
0xab: {  	s0 =	rddreg [dreg:$0x14];
	[sflag:s15] =	ssyncadd.s32 $0xFFFFFCE0  }
0xac: {  	[tilespmem:s26], [sflag:$0x5] =	stream.linear.gather [hbm4b:s0+s2], $0x320, $0x38;
	[tilespmem:$0x1A2C0] =	vst v63  }
0xad: {  	_ =	swait.ge [sflag:s15], $0x320  }
0xae: {  	[sflag:s15] =	ssyncset.done $0x0  }
0xaf: {  	[sflag:s15] =	ssyncadd.s32 $0xFFFFFCE0  }
0xb0: {  	[tilespmem:s12], [sflag:$0x5] =	stream.linear.gather [hbm4b:s6+s2], $0xC800, $0x38;
	[tilespmem:$0x1A2C0] =	vst v63  }
0xb1: {  	_ =	swait.ge [sflag:s15], $0xC800  }
0xb2: {  	[sflag:s15] =	ssyncset.done $0x0  }
0xb3: {  	[sflag:s15] =	ssyncadd.s32 $0xFFFF3800  }
0xb4: {  	[tilespmem:s12], [sflag:$0x1] =	stream.indirect.gather.add.f32 [hbm:s3], $0x40, s2, s16, $0xb8;
	[tilespmem:$0x1A2C0] =	vst v63  }
0xb5: {  	_ = 	snop  }
0xb6: {  	[tilespmem:s12], [sflag:$0x1] =	stream.indirect.gather.add.f32 [hbm:s4], $0x40, s25, s16, $0xb8;
	[tilespmem:$0x1A2C0] =	vst v63  }
0xb7: {  	_ = 	snop  }
0xb8: {  	[tilespmem:s12], [sflag:$0x1] =	stream.indirect.gather.add.f32 [hbm:s5], $0x40, s26, s16, $0xb8;
	[tilespmem:$0x1A2C0] =	vst v63  }
0xb9: {  	_ =	swait.ge [sflag:s13], $0xC800  }
0xba: {  	[sflag:s13] =	ssyncset.done $0x0  }
0xbb: {  	[sflag:s13] =	ssyncadd.s32 $0xFFFF3800  }
0xbc: {  	_ =	swait.ge [sflag:s13], $0xC800  }
0xbd: {  	[sflag:s13] =	ssyncset.done $0x0  }
0xbe: {  	[sflag:s13] =	ssyncadd.s32 $0xFFFF3800  }
0xbf: {  	_ =	swait.ge [sflag:s13], $0xC800  }
0xc0: {  	[sflag:s13] =	ssyncset.done $0x0  }
0xc1: {  	s0 =	rddreg [dreg:$0x15];
	[sflag:s13] =	ssyncadd.s32 $0xFFFF3800  }
0xc2: {  	[hbm4b:s0+s2] =	stream.linear.scatter [tilespmem:s10], [sflag:$0x4], $0xC800, $0x38;
	[tilespmem:$0x1A2C0] =	vst v63  }
0xc3: {  	_ =	swait.ge [sflag:s11], $0xC800  }
0xc4: {  	[sflag:s11] =	ssyncset.done $0x0  }
0xc5: {  	s0 =	rddreg [dreg:$0x16];
	[sflag:s11] =	ssyncadd.s32 $0xFFFF3800  }
0xc6: {  	[tilespmem:s16], [sflag:$0x5] =	stream.linear.gather [hbm4b:s0+s2], $0x320, $0x38;
	[tilespmem:$0x1A2C0] =	vst v63  }
0xc7: {  	_ =	swait.ge [sflag:s15], $0x320  }
0xc8: {  	[sflag:s15] =	ssyncset.done $0x0  }
0xc9: {  	[sflag:s15] =	ssyncadd.s32 $0xFFFFFCE0  }
0xca: {  	[tilespmem:s18], [sflag:$0x5] =	stream.linear.gather [hbm4b:s31+s2], $0x320, $0x38;
	[tilespmem:$0x1A2C0] =	vst v63  }
0xcb: {  	_ =	swait.ge [sflag:s15], $0x320  }
0xcc: {  	[sflag:s15] =	ssyncset.done $0x0  }
0xcd: {  	[sflag:s15] =	ssyncadd.s32 $0xFFFFFCE0  }
0xce: {  	[tilespmem:s20], [sflag:$0x5] =	stream.linear.gather [hbm4b:s30+s2], $0x320, $0x38;
	[tilespmem:$0x1A2C0] =	vst v63  }
0xcf: {  	_ =	swait.ge [sflag:s15], $0x320  }
0xd0: {  	[sflag:s15] =	ssyncset.done $0x0  }
0xd1: {  	[sflag:s15] =	ssyncadd.s32 $0xFFFFFCE0  }
0xd2: {  	[tilespmem:s10], [sflag:$0x5] =	stream.linear.gather [hbm4b:s6+s2], $0xC800, $0x38;
	[tilespmem:$0x1A2C0] =	vst v63  }
0xd3: {  	_ =	swait.ge [sflag:s15], $0xC800  }
0xd4: {  	[sflag:s15] =	ssyncset.done $0x0  }
0xd5: {  	[sflag:s15] =	ssyncadd.s32 $0xFFFF3800  }
0xd6: {  	[tilespmem:s10], [sflag:$0x2] =	stream.indirect.gather.add.f32 [hbm:s3], $0x40, s16, s16, $0xb8;
	[tilespmem:$0x1A2C0] =	vst v63  }
0xd7: {  	_ = 	snop  }
0xd8: {  	[tilespmem:s10], [sflag:$0x2] =	stream.indirect.gather.add.f32 [hbm:s4], $0x40, s18, s16, $0xb8;
	[tilespmem:$0x1A2C0] =	vst v63  }
0xd9: {  	_ = 	snop  }
0xda: {  	[tilespmem:s10], [sflag:$0x2] =	stream.indirect.gather.add.f32 [hbm:s5], $0x40, s20, s16, $0xb8;
	[tilespmem:$0x1A2C0] =	vst v63  }
0xdb: {  	_ =	swait.ge [sflag:s14], $0xC800  }
0xdc: {  	[sflag:s14] =	ssyncset.done $0x0  }
0xdd: {  	[sflag:s14] =	ssyncadd.s32 $0xFFFF3800  }
0xde: {  	_ =	swait.ge [sflag:s14], $0xC800  }
0xdf: {  	[sflag:s14] =	ssyncset.done $0x0  }
0xe0: {  	[sflag:s14] =	ssyncadd.s32 $0xFFFF3800  }
0xe1: {  	_ =	swait.ge [sflag:s14], $0xC800  }
0xe2: {  	[sflag:s14] =	ssyncset.done $0x0  }
0xe3: {  	[sflag:s14] =	ssyncadd.s32 $0xFFFF3800  }
0xe4: {  	[hbm4b:s29+s2] =	stream.linear.scatter [tilespmem:s12], [sflag:$0x3], $0xC800, $0x38;
	[tilespmem:$0x1A2C0] =	vst v63  }
0xe5: {  	_ =	swait.ge [sflag:s9], $0xC800  }
0xe6: {  	[sflag:s9] =	ssyncset.done $0x0  }
0xe7: {  	[sflag:s9] =	ssyncadd.s32 $0xFFFF3800  }
0xe8: {  	[tilespmem:s2], [sflag:$0x5] =	stream.linear.gather [hbm4b:s28+s2], $0x320, $0x38;
	[tilespmem:$0x1A2C0] =	vst v63  }
0xe9: {  	_ =	swait.ge [sflag:s15], $0x320  }
0xea: {  	[sflag:s15] =	ssyncset.done $0x0  }
0xeb: {  	[sflag:s15] =	ssyncadd.s32 $0xFFFFFCE0  }
0xec: {  	[tilespmem:s25], [sflag:$0x5] =	stream.linear.gather [hbm4b:s24+s2], $0x320, $0x38;
	[tilespmem:$0x1A2C0] =	vst v63  }
0xed: {  	_ =	swait.ge [sflag:s15], $0x320  }
0xee: {  	[sflag:s15] =	ssyncset.done $0x0  }
0xef: {  	[sflag:s15] =	ssyncadd.s32 $0xFFFFFCE0  }
0xf0: {  	[tilespmem:s26], [sflag:$0x5] =	stream.linear.gather [hbm4b:s23+s2], $0x320, $0x38;
	[tilespmem:$0x1A2C0] =	vst v63  }
0xf1: {  	_ =	swait.ge [sflag:s15], $0x320  }
0xf2: {  	[sflag:s15] =	ssyncset.done $0x0  }
0xf3: {  	[sflag:s15] =	ssyncadd.s32 $0xFFFFFCE0  }
0xf4: {  	[tilespmem:s12], [sflag:$0x5] =	stream.linear.gather [hbm4b:s6+s2], $0xC800, $0x38;
	[tilespmem:$0x1A2C0] =	vst v63  }
0xf5: {  	_ =	swait.ge [sflag:s15], $0xC800  }
0xf6: {  	[sflag:s15] =	ssyncset.done $0x0  }
0xf7: {  	[sflag:s15] =	ssyncadd.s32 $0xFFFF3800  }
0xf8: {  	[tilespmem:s12], [sflag:$0x1] =	stream.indirect.gather.add.f32 [hbm:s3], $0x40, s2, s16, $0xb8;
	[tilespmem:$0x1A2C0] =	vst v63  }
0xf9: {  	_ = 	snop  }
0xfa: {  	[tilespmem:s12], [sflag:$0x1] =	stream.indirect.gather.add.f32 [hbm:s4], $0x40, s25, s16, $0xb8;
	[tilespmem:$0x1A2C0] =	vst v63  }
0xfb: {  	_ = 	snop  }
0xfc: {  	[tilespmem:s12], [sflag:$0x1] =	stream.indirect.gather.add.f32 [hbm:s5], $0x40, s26, s16, $0xb8;
	[tilespmem:$0x1A2C0] =	vst v63  }
0xfd: {  	_ =	swait.ge [sflag:s13], $0xC800  }
0xfe: {  	[sflag:s13] =	ssyncset.done $0x0  }
0xff: {  	[sflag:s13] =	ssyncadd.s32 $0xFFFF3800  }
0x100: {  	_ =	swait.ge [sflag:s13], $0xC800  }
0x101: {  	[sflag:s13] =	ssyncset.done $0x0  }
0x102: {  	[sflag:s13] =	ssyncadd.s32 $0xFFFF3800  }
0x103: {  	_ =	swait.ge [sflag:s13], $0xC800  }
0x104: {  	[sflag:s13] =	ssyncset.done $0x0  }
0x105: {  	[sflag:s13] =	ssyncadd.s32 $0xFFFF3800  }
0x106: {  	[hbm4b:s22+s2] =	stream.linear.scatter [tilespmem:s10], [sflag:$0x4], $0xC800, $0x38;
	[tilespmem:$0x1A2C0] =	vst v63  }
0x107: {  	_ =	swait.ge [sflag:s11], $0xC800  }
0x108: {  	[sflag:s11] =	ssyncset.done $0x0  }
0x109: {  	[sflag:s11] =	ssyncadd.s32 $0xFFFF3800  }
0x10a: {  	[tilespmem:s16], [sflag:$0x5] =	stream.linear.gather [hbm4b:s21+s2], $0x320, $0x38;
	[tilespmem:$0x1A2C0] =	vst v63  }
0x10b: {  	_ =	swait.ge [sflag:s15], $0x320  }
0x10c: {  	[sflag:s15] =	ssyncset.done $0x0  }
0x10d: {  	[sflag:s15] =	ssyncadd.s32 $0xFFFFFCE0  }
0x10e: {  	[tilespmem:s18], [sflag:$0x5] =	stream.linear.gather [hbm4b:s19+s2], $0x320, $0x38;
	[tilespmem:$0x1A2C0] =	vst v63  }
0x10f: {  	_ =	swait.ge [sflag:s15], $0x320  }
0x110: {  	[sflag:s15] =	ssyncset.done $0x0  }
0x111: {  	[sflag:s15] =	ssyncadd.s32 $0xFFFFFCE0  }
0x112: {  	[tilespmem:s20], [sflag:$0x5] =	stream.linear.gather [hbm4b:s17+s2], $0x320, $0x38;
	[tilespmem:$0x1A2C0] =	vst v63  }
0x113: {  	_ =	swait.ge [sflag:s15], $0x320  }
0x114: {  	[sflag:s15] =	ssyncset.done $0x0  }
0x115: {  	[sflag:s15] =	ssyncadd.s32 $0xFFFFFCE0  }
0x116: {  	[tilespmem:s10], [sflag:$0x5] =	stream.linear.gather [hbm4b:s6+s2], $0xC800, $0x38;
	[tilespmem:$0x1A2C0] =	vst v63  }
0x117: {  	_ =	swait.ge [sflag:s15], $0xC800  }
0x118: {  	[sflag:s15] =	ssyncset.done $0x0  }
0x119: {  	[sflag:s15] =	ssyncadd.s32 $0xFFFF3800  }
0x11a: {  	[tilespmem:s10], [sflag:$0x2] =	stream.indirect.gather.add.f32 [hbm:s3], $0x40, s16, s16, $0xb8;
	[tilespmem:$0x1A2C0] =	vst v63  }
0x11b: {  	_ = 	snop  }
0x11c: {  	[tilespmem:s10], [sflag:$0x2] =	stream.indirect.gather.add.f32 [hbm:s4], $0x40, s18, s16, $0xb8;
	[tilespmem:$0x1A2C0] =	vst v63  }
0x11d: {  	_ = 	snop  }
0x11e: {  	[tilespmem:s10], [sflag:$0x2] =	stream.indirect.gather.add.f32 [hbm:s5], $0x40, s20, s16, $0xb8;
	[tilespmem:$0x1A2C0] =	vst v63  }
0x11f: {  	_ =	swait.ge [sflag:s14], $0xC800  }
0x120: {  	[sflag:s14] =	ssyncset.done $0x0  }
0x121: {  	[sflag:s14] =	ssyncadd.s32 $0xFFFF3800  }
0x122: {  	_ =	swait.ge [sflag:s14], $0xC800  }
0x123: {  	[sflag:s14] =	ssyncset.done $0x0  }
0x124: {  	[sflag:s14] =	ssyncadd.s32 $0xFFFF3800  }
0x125: {  	_ =	swait.ge [sflag:s14], $0xC800  }
0x126: {  	[sflag:s14] =	ssyncset.done $0x0  }
0x127: {  	[sflag:s14] =	ssyncadd.s32 $0xFFFF3800  }
0x128: {  	[hbm4b:s8+s2] =	stream.linear.scatter [tilespmem:s12], [sflag:$0x3], $0xC800, $0x38;
	[tilespmem:$0x1A2C0] =	vst v63  }
0x129: {  	_ =	swait.ge [sflag:s13], $0xC800  }
0x12a: {  	[sflag:s13] =	ssyncset.done $0x0  }
0x12b: {  	[sflag:s13] =	ssyncadd.s32 $0xFFFF3800  }
0x12c: {  	_ =	swait.ge [sflag:s13], $0xC800  }
0x12d: {  	[sflag:s13] =	ssyncset.done $0x0  }
0x12e: {  	[sflag:s13] =	ssyncadd.s32 $0xFFFF3800  }
0x12f: {  	_ =	swait.ge [sflag:s13], $0xC800  }
0x130: {  	[sflag:s13] =	ssyncset.done $0x0  }
0x131: {  	p1 =	sne.s32 s1, $0x1;
	[sflag:s13] =	ssyncadd.s32 $0xFFFF3800  }
0x132: {  	[hbm4b:s7+s2] =	stream.linear.scatter [tilespmem:s10], [sflag:$0x4], $0xC800, $0x38;
	[tilespmem:$0x1A2C0] =	vst v63  }
.Ltmp1:
0x133: {  	_ =	swait.ge [sflag:s11], $0xC800;
	(pc) =	sbr.rel @!p1 .LBB2_3-.Ltmp1, $4  }
0x134: {  	[sflag:s11] =	ssyncset.done $0x0  }
0x135: {  	[sflag:s11] =	ssyncadd.s32 $0xFFFF3800  }
0x136: {  	s1 =	sadd.s32 $0xFFFFFFFF, s1;
	_ =	swait.ge [sflag:s9], $0xC800  }
0x137: {  	p0 =	por $0x1, $0x1;
	s0 =	rddreg [dreg:$0x3];
	[sflag:s9] =	ssyncset.done $0x0  }
.LBB2_2:
0x138: {  	[sflag:s9] =	ssyncadd.s32 $0xFFFF3800  }
0x139: {  	[tilespmem:s2], [sflag:$0x5] =	stream.linear.gather [hbm4b:s0+s2], $0x320, $0x38;
	[tilespmem:$0x1A2C0] =	vst v63  }
0x13a: {  	_ =	swait.ge [sflag:s15], $0x320  }
0x13b: {  	[sflag:s15] =	ssyncset.done $0x0  }
0x13c: {  	s0 =	rddreg [dreg:$0x4];
	[sflag:s15] =	ssyncadd.s32 $0xFFFFFCE0  }
0x13d: {  	[tilespmem:s25], [sflag:$0x5] =	stream.linear.gather [hbm4b:s0+s2], $0x320, $0x38;
	[tilespmem:$0x1A2C0] =	vst v63  }
0x13e: {  	_ =	swait.ge [sflag:s15], $0x320  }
0x13f: {  	[sflag:s15] =	ssyncset.done $0x0  }
0x140: {  	s0 =	rddreg [dreg:$0x5];
	[sflag:s15] =	ssyncadd.s32 $0xFFFFFCE0  }
0x141: {  	[tilespmem:s26], [sflag:$0x5] =	stream.linear.gather [hbm4b:s0+s2], $0x320, $0x38;
	[tilespmem:$0x1A2C0] =	vst v63  }
0x142: {  	_ =	swait.ge [sflag:s15], $0x320  }
0x143: {  	[sflag:s15] =	ssyncset.done $0x0  }
0x144: {  	[sflag:s15] =	ssyncadd.s32 $0xFFFFFCE0  }
0x145: {  	[tilespmem:s12], [sflag:$0x5] =	stream.linear.gather [hbm4b:s6+s2], $0xC800, $0x38;
	[tilespmem:$0x1A2C0] =	vst v63  }
0x146: {  	_ =	swait.ge [sflag:s15], $0xC800  }
0x147: {  	[sflag:s15] =	ssyncset.done $0x0  }
0x148: {  	[sflag:s15] =	ssyncadd.s32 $0xFFFF3800  }
0x149: {  	[tilespmem:s12], [sflag:$0x1] =	stream.indirect.gather.add.f32 [hbm:s3], $0x40, s2, s16, $0xb8;
	[tilespmem:$0x1A2C0] =	vst v63  }
0x14a: {  	_ = 	snop  }
0x14b: {  	[tilespmem:s12], [sflag:$0x1] =	stream.indirect.gather.add.f32 [hbm:s4], $0x40, s25, s16, $0xb8;
	[tilespmem:$0x1A2C0] =	vst v63  }
0x14c: {  	_ = 	snop  }
0x14d: {  	[tilespmem:s12], [sflag:$0x1] =	stream.indirect.gather.add.f32 [hbm:s5], $0x40, s26, s16, $0xb8;
	[tilespmem:$0x1A2C0] =	vst v63  }
0x14e: {  	s0 =	rddreg [dreg:$0x6]  }
0x14f: {  	[tilespmem:s16], [sflag:$0x5] =	stream.linear.gather [hbm4b:s0+s2], $0x320, $0x38;
	[tilespmem:$0x1A2C0] =	vst v63  }
0x150: {  	_ =	swait.ge [sflag:s15], $0x320  }
0x151: {  	[sflag:s15] =	ssyncset.done $0x0  }
0x152: {  	s0 =	rddreg [dreg:$0x7];
	[sflag:s15] =	ssyncadd.s32 $0xFFFFFCE0  }
0x153: {  	[tilespmem:s18], [sflag:$0x5] =	stream.linear.gather [hbm4b:s0+s2], $0x320, $0x38;
	[tilespmem:$0x1A2C0] =	vst v63  }
0x154: {  	_ =	swait.ge [sflag:s15], $0x320  }
0x155: {  	[sflag:s15] =	ssyncset.done $0x0  }
0x156: {  	s0 =	rddreg [dreg:$0x8];
	[sflag:s15] =	ssyncadd.s32 $0xFFFFFCE0  }
0x157: {  	[tilespmem:s20], [sflag:$0x5] =	stream.linear.gather [hbm4b:s0+s2], $0x320, $0x38;
	[tilespmem:$0x1A2C0] =	vst v63  }
0x158: {  	_ =	swait.ge [sflag:s15], $0x320  }
0x159: {  	[sflag:s15] =	ssyncset.done $0x0  }
0x15a: {  	[sflag:s15] =	ssyncadd.s32 $0xFFFFFCE0  }
0x15b: {  	[tilespmem:s10], [sflag:$0x5] =	stream.linear.gather [hbm4b:s6+s2], $0xC800, $0x38;
	[tilespmem:$0x1A2C0] =	vst v63  }
0x15c: {  	_ =	swait.ge [sflag:s15], $0xC800  }
0x15d: {  	[sflag:s15] =	ssyncset.done $0x0  }
0x15e: {  	[sflag:s15] =	ssyncadd.s32 $0xFFFF3800  }
0x15f: {  	[tilespmem:s10], [sflag:$0x2] =	stream.indirect.gather.add.f32 [hbm:s3], $0x40, s16, s16, $0xb8;
	[tilespmem:$0x1A2C0] =	vst v63  }
0x160: {  	_ = 	snop  }
0x161: {  	[tilespmem:s10], [sflag:$0x2] =	stream.indirect.gather.add.f32 [hbm:s4], $0x40, s18, s16, $0xb8;
	[tilespmem:$0x1A2C0] =	vst v63  }
0x162: {  	_ = 	snop  }
0x163: {  	[tilespmem:s10], [sflag:$0x2] =	stream.indirect.gather.add.f32 [hbm:s5], $0x40, s20, s16, $0xb8;
	[tilespmem:$0x1A2C0] =	vst v63  }
0x164: {  	_ =	swait.ge [sflag:s14], $0xC800  }
0x165: {  	[sflag:s14] =	ssyncset.done $0x0  }
0x166: {  	[sflag:s14] =	ssyncadd.s32 $0xFFFF3800  }
0x167: {  	_ =	swait.ge [sflag:s14], $0xC800  }
0x168: {  	[sflag:s14] =	ssyncset.done $0x0  }
0x169: {  	[sflag:s14] =	ssyncadd.s32 $0xFFFF3800  }
0x16a: {  	_ =	swait.ge [sflag:s14], $0xC800  }
0x16b: {  	[sflag:s14] =	ssyncset.done $0x0  }
0x16c: {  	s0 =	rddreg [dreg:$0x9];
	[sflag:s14] =	ssyncadd.s32 $0xFFFF3800  }
0x16d: {  	[hbm4b:s0+s2] =	stream.linear.scatter [tilespmem:s12], [sflag:$0x3], $0xC800, $0x38;
	[tilespmem:$0x1A2C0] =	vst v63  }
0x16e: {  	_ =	swait.ge [sflag:s9], $0xC800  }
0x16f: {  	[sflag:s9] =	ssyncset.done $0x0  }
0x170: {  	s0 =	rddreg [dreg:$0xa];
	[sflag:s9] =	ssyncadd.s32 $0xFFFF3800  }
0x171: {  	[tilespmem:s2], [sflag:$0x5] =	stream.linear.gather [hbm4b:s0+s2], $0x320, $0x38;
	[tilespmem:$0x1A2C0] =	vst v63  }
0x172: {  	_ =	swait.ge [sflag:s15], $0x320  }
0x173: {  	[sflag:s15] =	ssyncset.done $0x0  }
0x174: {  	s0 =	rddreg [dreg:$0xb];
	[sflag:s15] =	ssyncadd.s32 $0xFFFFFCE0  }
0x175: {  	[tilespmem:s25], [sflag:$0x5] =	stream.linear.gather [hbm4b:s0+s2], $0x320, $0x38;
	[tilespmem:$0x1A2C0] =	vst v63  }
0x176: {  	_ =	swait.ge [sflag:s15], $0x320  }
0x177: {  	[sflag:s15] =	ssyncset.done $0x0  }
0x178: {  	s0 =	rddreg [dreg:$0xc];
	[sflag:s15] =	ssyncadd.s32 $0xFFFFFCE0  }
0x179: {  	[tilespmem:s26], [sflag:$0x5] =	stream.linear.gather [hbm4b:s0+s2], $0x320, $0x38;
	[tilespmem:$0x1A2C0] =	vst v63  }
0x17a: {  	_ =	swait.ge [sflag:s15], $0x320  }
0x17b: {  	[sflag:s15] =	ssyncset.done $0x0  }
0x17c: {  	[sflag:s15] =	ssyncadd.s32 $0xFFFFFCE0  }
0x17d: {  	[tilespmem:s12], [sflag:$0x5] =	stream.linear.gather [hbm4b:s6+s2], $0xC800, $0x38;
	[tilespmem:$0x1A2C0] =	vst v63  }
0x17e: {  	_ =	swait.ge [sflag:s15], $0xC800  }
0x17f: {  	[sflag:s15] =	ssyncset.done $0x0  }
0x180: {  	[sflag:s15] =	ssyncadd.s32 $0xFFFF3800  }
0x181: {  	[tilespmem:s12], [sflag:$0x1] =	stream.indirect.gather.add.f32 [hbm:s3], $0x40, s2, s16, $0xb8;
	[tilespmem:$0x1A2C0] =	vst v63  }
0x182: {  	_ = 	snop  }
0x183: {  	[tilespmem:s12], [sflag:$0x1] =	stream.indirect.gather.add.f32 [hbm:s4], $0x40, s25, s16, $0xb8;
	[tilespmem:$0x1A2C0] =	vst v63  }
0x184: {  	_ = 	snop  }
0x185: {  	[tilespmem:s12], [sflag:$0x1] =	stream.indirect.gather.add.f32 [hbm:s5], $0x40, s26, s16, $0xb8;
	[tilespmem:$0x1A2C0] =	vst v63  }
0x186: {  	_ =	swait.ge [sflag:s13], $0xC800  }
0x187: {  	[sflag:s13] =	ssyncset.done $0x0  }
0x188: {  	[sflag:s13] =	ssyncadd.s32 $0xFFFF3800  }
0x189: {  	_ =	swait.ge [sflag:s13], $0xC800  }
0x18a: {  	[sflag:s13] =	ssyncset.done $0x0  }
0x18b: {  	[sflag:s13] =	ssyncadd.s32 $0xFFFF3800  }
0x18c: {  	_ =	swait.ge [sflag:s13], $0xC800  }
0x18d: {  	[sflag:s13] =	ssyncset.done $0x0  }
0x18e: {  	s0 =	rddreg [dreg:$0xd];
	[sflag:s13] =	ssyncadd.s32 $0xFFFF3800  }
0x18f: {  	[hbm4b:s0+s2] =	stream.linear.scatter [tilespmem:s10], [sflag:$0x4], $0xC800, $0x38;
	[tilespmem:$0x1A2C0] =	vst v63  }
0x190: {  	_ =	swait.ge [sflag:s11], $0xC800  }
0x191: {  	[sflag:s11] =	ssyncset.done $0x0  }
0x192: {  	s0 =	rddreg [dreg:$0xe];
	[sflag:s11] =	ssyncadd.s32 $0xFFFF3800  }
0x193: {  	[tilespmem:s16], [sflag:$0x5] =	stream.linear.gather [hbm4b:s0+s2], $0x320, $0x38;
	[tilespmem:$0x1A2C0] =	vst v63  }
0x194: {  	_ =	swait.ge [sflag:s15], $0x320  }
0x195: {  	[sflag:s15] =	ssyncset.done $0x0  }
0x196: {  	s0 =	rddreg [dreg:$0xf];
	[sflag:s15] =	ssyncadd.s32 $0xFFFFFCE0  }
0x197: {  	[tilespmem:s18], [sflag:$0x5] =	stream.linear.gather [hbm4b:s0+s2], $0x320, $0x38;
	[tilespmem:$0x1A2C0] =	vst v63  }
0x198: {  	_ =	swait.ge [sflag:s15], $0x320  }
0x199: {  	[sflag:s15] =	ssyncset.done $0x0  }
0x19a: {  	s0 =	rddreg [dreg:$0x10];
	[sflag:s15] =	ssyncadd.s32 $0xFFFFFCE0  }
0x19b: {  	[tilespmem:s20], [sflag:$0x5] =	stream.linear.gather [hbm4b:s0+s2], $0x320, $0x38;
	[tilespmem:$0x1A2C0] =	vst v63  }
0x19c: {  	_ =	swait.ge [sflag:s15], $0x320  }
0x19d: {  	[sflag:s15] =	ssyncset.done $0x0  }
0x19e: {  	[sflag:s15] =	ssyncadd.s32 $0xFFFFFCE0  }
0x19f: {  	[tilespmem:s10], [sflag:$0x5] =	stream.linear.gather [hbm4b:s6+s2], $0xC800, $0x38;
	[tilespmem:$0x1A2C0] =	vst v63  }
0x1a0: {  	_ =	swait.ge [sflag:s15], $0xC800  }
0x1a1: {  	[sflag:s15] =	ssyncset.done $0x0  }
0x1a2: {  	[sflag:s15] =	ssyncadd.s32 $0xFFFF3800  }
0x1a3: {  	[tilespmem:s10], [sflag:$0x2] =	stream.indirect.gather.add.f32 [hbm:s3], $0x40, s16, s16, $0xb8;
	[tilespmem:$0x1A2C0] =	vst v63  }
0x1a4: {  	_ = 	snop  }
0x1a5: {  	[tilespmem:s10], [sflag:$0x2] =	stream.indirect.gather.add.f32 [hbm:s4], $0x40, s18, s16, $0xb8;
	[tilespmem:$0x1A2C0] =	vst v63  }
0x1a6: {  	_ = 	snop  }
0x1a7: {  	[tilespmem:s10], [sflag:$0x2] =	stream.indirect.gather.add.f32 [hbm:s5], $0x40, s20, s16, $0xb8;
	[tilespmem:$0x1A2C0] =	vst v63  }
0x1a8: {  	_ =	swait.ge [sflag:s14], $0xC800  }
0x1a9: {  	[sflag:s14] =	ssyncset.done $0x0  }
0x1aa: {  	[sflag:s14] =	ssyncadd.s32 $0xFFFF3800  }
0x1ab: {  	_ =	swait.ge [sflag:s14], $0xC800  }
0x1ac: {  	[sflag:s14] =	ssyncset.done $0x0  }
0x1ad: {  	[sflag:s14] =	ssyncadd.s32 $0xFFFF3800  }
0x1ae: {  	_ =	swait.ge [sflag:s14], $0xC800  }
0x1af: {  	[sflag:s14] =	ssyncset.done $0x0  }
0x1b0: {  	s0 =	rddreg [dreg:$0x11];
	[sflag:s14] =	ssyncadd.s32 $0xFFFF3800  }
0x1b1: {  	[hbm4b:s0+s2] =	stream.linear.scatter [tilespmem:s12], [sflag:$0x3], $0xC800, $0x38;
	[tilespmem:$0x1A2C0] =	vst v63  }
0x1b2: {  	_ =	swait.ge [sflag:s9], $0xC800  }
0x1b3: {  	[sflag:s9] =	ssyncset.done $0x0  }
0x1b4: {  	s0 =	rddreg [dreg:$0x12];
	[sflag:s9] =	ssyncadd.s32 $0xFFFF3800  }
0x1b5: {  	[tilespmem:s2], [sflag:$0x5] =	stream.linear.gather [hbm4b:s0+s2], $0x320, $0x38;
	[tilespmem:$0x1A2C0] =	vst v63  }
0x1b6: {  	_ =	swait.ge [sflag:s15], $0x320  }
0x1b7: {  	[sflag:s15] =	ssyncset.done $0x0  }
0x1b8: {  	s0 =	rddreg [dreg:$0x13];
	[sflag:s15] =	ssyncadd.s32 $0xFFFFFCE0  }
0x1b9: {  	[tilespmem:s25], [sflag:$0x5] =	stream.linear.gather [hbm4b:s0+s2], $0x320, $0x38;
	[tilespmem:$0x1A2C0] =	vst v63  }
0x1ba: {  	_ =	swait.ge [sflag:s15], $0x320  }
0x1bb: {  	[sflag:s15] =	ssyncset.done $0x0  }
0x1bc: {  	s0 =	rddreg [dreg:$0x14];
	[sflag:s15] =	ssyncadd.s32 $0xFFFFFCE0  }
0x1bd: {  	[tilespmem:s26], [sflag:$0x5] =	stream.linear.gather [hbm4b:s0+s2], $0x320, $0x38;
	[tilespmem:$0x1A2C0] =	vst v63  }
0x1be: {  	_ =	swait.ge [sflag:s15], $0x320  }
0x1bf: {  	[sflag:s15] =	ssyncset.done $0x0  }
0x1c0: {  	[sflag:s15] =	ssyncadd.s32 $0xFFFFFCE0  }
0x1c1: {  	[tilespmem:s12], [sflag:$0x5] =	stream.linear.gather [hbm4b:s6+s2], $0xC800, $0x38;
	[tilespmem:$0x1A2C0] =	vst v63  }
0x1c2: {  	_ =	swait.ge [sflag:s15], $0xC800  }
0x1c3: {  	[sflag:s15] =	ssyncset.done $0x0  }
0x1c4: {  	[sflag:s15] =	ssyncadd.s32 $0xFFFF3800  }
0x1c5: {  	[tilespmem:s12], [sflag:$0x1] =	stream.indirect.gather.add.f32 [hbm:s3], $0x40, s2, s16, $0xb8;
	[tilespmem:$0x1A2C0] =	vst v63  }
0x1c6: {  	_ = 	snop  }
0x1c7: {  	[tilespmem:s12], [sflag:$0x1] =	stream.indirect.gather.add.f32 [hbm:s4], $0x40, s25, s16, $0xb8;
	[tilespmem:$0x1A2C0] =	vst v63  }
0x1c8: {  	_ = 	snop  }
0x1c9: {  	[tilespmem:s12], [sflag:$0x1] =	stream.indirect.gather.add.f32 [hbm:s5], $0x40, s26, s16, $0xb8;
	[tilespmem:$0x1A2C0] =	vst v63  }
0x1ca: {  	_ =	swait.ge [sflag:s13], $0xC800  }
0x1cb: {  	[sflag:s13] =	ssyncset.done $0x0  }
0x1cc: {  	[sflag:s13] =	ssyncadd.s32 $0xFFFF3800  }
0x1cd: {  	_ =	swait.ge [sflag:s13], $0xC800  }
0x1ce: {  	[sflag:s13] =	ssyncset.done $0x0  }
0x1cf: {  	[sflag:s13] =	ssyncadd.s32 $0xFFFF3800  }
0x1d0: {  	_ =	swait.ge [sflag:s13], $0xC800  }
0x1d1: {  	[sflag:s13] =	ssyncset.done $0x0  }
0x1d2: {  	s0 =	rddreg [dreg:$0x15];
	[sflag:s13] =	ssyncadd.s32 $0xFFFF3800  }
0x1d3: {  	[hbm4b:s0+s2] =	stream.linear.scatter [tilespmem:s10], [sflag:$0x4], $0xC800, $0x38;
	[tilespmem:$0x1A2C0] =	vst v63  }
0x1d4: {  	_ =	swait.ge [sflag:s11], $0xC800  }
0x1d5: {  	[sflag:s11] =	ssyncset.done $0x0  }
0x1d6: {  	s0 =	rddreg [dreg:$0x16];
	[sflag:s11] =	ssyncadd.s32 $0xFFFF3800  }
0x1d7: {  	[tilespmem:s16], [sflag:$0x5] =	stream.linear.gather [hbm4b:s0+s2], $0x320, $0x38;
	[tilespmem:$0x1A2C0] =	vst v63  }
0x1d8: {  	_ =	swait.ge [sflag:s15], $0x320  }
0x1d9: {  	[sflag:s15] =	ssyncset.done $0x0  }
0x1da: {  	[sflag:s15] =	ssyncadd.s32 $0xFFFFFCE0  }
0x1db: {  	[tilespmem:s18], [sflag:$0x5] =	stream.linear.gather [hbm4b:s31+s2], $0x320, $0x38;
	[tilespmem:$0x1A2C0] =	vst v63  }
0x1dc: {  	_ =	swait.ge [sflag:s15], $0x320  }
0x1dd: {  	[sflag:s15] =	ssyncset.done $0x0  }
0x1de: {  	[sflag:s15] =	ssyncadd.s32 $0xFFFFFCE0  }
0x1df: {  	[tilespmem:s20], [sflag:$0x5] =	stream.linear.gather [hbm4b:s30+s2], $0x320, $0x38;
	[tilespmem:$0x1A2C0] =	vst v63  }
0x1e0: {  	_ =	swait.ge [sflag:s15], $0x320  }
0x1e1: {  	[sflag:s15] =	ssyncset.done $0x0  }
0x1e2: {  	[sflag:s15] =	ssyncadd.s32 $0xFFFFFCE0  }
0x1e3: {  	[tilespmem:s10], [sflag:$0x5] =	stream.linear.gather [hbm4b:s6+s2], $0xC800, $0x38;
	[tilespmem:$0x1A2C0] =	vst v63  }
0x1e4: {  	_ =	swait.ge [sflag:s15], $0xC800  }
0x1e5: {  	[sflag:s15] =	ssyncset.done $0x0  }
0x1e6: {  	[sflag:s15] =	ssyncadd.s32 $0xFFFF3800  }
0x1e7: {  	[tilespmem:s10], [sflag:$0x2] =	stream.indirect.gather.add.f32 [hbm:s3], $0x40, s16, s16, $0xb8;
	[tilespmem:$0x1A2C0] =	vst v63  }
0x1e8: {  	_ = 	snop  }
0x1e9: {  	[tilespmem:s10], [sflag:$0x2] =	stream.indirect.gather.add.f32 [hbm:s4], $0x40, s18, s16, $0xb8;
	[tilespmem:$0x1A2C0] =	vst v63  }
0x1ea: {  	_ = 	snop  }
0x1eb: {  	[tilespmem:s10], [sflag:$0x2] =	stream.indirect.gather.add.f32 [hbm:s5], $0x40, s20, s16, $0xb8;
	[tilespmem:$0x1A2C0] =	vst v63  }
0x1ec: {  	_ =	swait.ge [sflag:s14], $0xC800  }
0x1ed: {  	[sflag:s14] =	ssyncset.done $0x0  }
0x1ee: {  	[sflag:s14] =	ssyncadd.s32 $0xFFFF3800  }
0x1ef: {  	_ =	swait.ge [sflag:s14], $0xC800  }
0x1f0: {  	[sflag:s14] =	ssyncset.done $0x0  }
0x1f1: {  	[sflag:s14] =	ssyncadd.s32 $0xFFFF3800  }
0x1f2: {  	_ =	swait.ge [sflag:s14], $0xC800  }
0x1f3: {  	[sflag:s14] =	ssyncset.done $0x0  }
0x1f4: {  	[sflag:s14] =	ssyncadd.s32 $0xFFFF3800  }
0x1f5: {  	[hbm4b:s29+s2] =	stream.linear.scatter [tilespmem:s12], [sflag:$0x3], $0xC800, $0x38;
	[tilespmem:$0x1A2C0] =	vst v63  }
0x1f6: {  	_ =	swait.ge [sflag:s9], $0xC800  }
0x1f7: {  	[sflag:s9] =	ssyncset.done $0x0  }
0x1f8: {  	[sflag:s9] =	ssyncadd.s32 $0xFFFF3800  }
0x1f9: {  	[tilespmem:s2], [sflag:$0x5] =	stream.linear.gather [hbm4b:s28+s2], $0x320, $0x38;
	[tilespmem:$0x1A2C0] =	vst v63  }
0x1fa: {  	_ =	swait.ge [sflag:s15], $0x320  }
0x1fb: {  	[sflag:s15] =	ssyncset.done $0x0  }
0x1fc: {  	[sflag:s15] =	ssyncadd.s32 $0xFFFFFCE0  }
0x1fd: {  	[tilespmem:s25], [sflag:$0x5] =	stream.linear.gather [hbm4b:s24+s2], $0x320, $0x38;
	[tilespmem:$0x1A2C0] =	vst v63  }
0x1fe: {  	_ =	swait.ge [sflag:s15], $0x320  }
0x1ff: {  	[sflag:s15] =	ssyncset.done $0x0  }
0x200: {  	[sflag:s15] =	ssyncadd.s32 $0xFFFFFCE0  }
0x201: {  	[tilespmem:s26], [sflag:$0x5] =	stream.linear.gather [hbm4b:s23+s2], $0x320, $0x38;
	[tilespmem:$0x1A2C0] =	vst v63  }
0x202: {  	_ =	swait.ge [sflag:s15], $0x320  }
0x203: {  	[sflag:s15] =	ssyncset.done $0x0  }
0x204: {  	[sflag:s15] =	ssyncadd.s32 $0xFFFFFCE0  }
0x205: {  	[tilespmem:s12], [sflag:$0x5] =	stream.linear.gather [hbm4b:s6+s2], $0xC800, $0x38;
	[tilespmem:$0x1A2C0] =	vst v63  }
0x206: {  	_ =	swait.ge [sflag:s15], $0xC800  }
0x207: {  	[sflag:s15] =	ssyncset.done $0x0  }
0x208: {  	[sflag:s15] =	ssyncadd.s32 $0xFFFF3800  }
0x209: {  	[tilespmem:s12], [sflag:$0x1] =	stream.indirect.gather.add.f32 [hbm:s3], $0x40, s2, s16, $0xb8;
	[tilespmem:$0x1A2C0] =	vst v63  }
0x20a: {  	_ = 	snop  }
0x20b: {  	[tilespmem:s12], [sflag:$0x1] =	stream.indirect.gather.add.f32 [hbm:s4], $0x40, s25, s16, $0xb8;
	[tilespmem:$0x1A2C0] =	vst v63  }
0x20c: {  	_ = 	snop  }
0x20d: {  	[tilespmem:s12], [sflag:$0x1] =	stream.indirect.gather.add.f32 [hbm:s5], $0x40, s26, s16, $0xb8;
	[tilespmem:$0x1A2C0] =	vst v63  }
0x20e: {  	_ =	swait.ge [sflag:s13], $0xC800  }
0x20f: {  	[sflag:s13] =	ssyncset.done $0x0  }
0x210: {  	[sflag:s13] =	ssyncadd.s32 $0xFFFF3800  }
0x211: {  	_ =	swait.ge [sflag:s13], $0xC800  }
0x212: {  	[sflag:s13] =	ssyncset.done $0x0  }
0x213: {  	[sflag:s13] =	ssyncadd.s32 $0xFFFF3800  }
0x214: {  	_ =	swait.ge [sflag:s13], $0xC800  }
0x215: {  	[sflag:s13] =	ssyncset.done $0x0  }
0x216: {  	[sflag:s13] =	ssyncadd.s32 $0xFFFF3800  }
0x217: {  	[hbm4b:s22+s2] =	stream.linear.scatter [tilespmem:s10], [sflag:$0x4], $0xC800, $0x38;
	[tilespmem:$0x1A2C0] =	vst v63  }
0x218: {  	_ =	swait.ge [sflag:s11], $0xC800  }
0x219: {  	[sflag:s11] =	ssyncset.done $0x0  }
0x21a: {  	[sflag:s11] =	ssyncadd.s32 $0xFFFF3800  }
0x21b: {  	[tilespmem:s16], [sflag:$0x5] =	stream.linear.gather [hbm4b:s21+s2], $0x320, $0x38;
	[tilespmem:$0x1A2C0] =	vst v63  }
0x21c: {  	_ =	swait.ge [sflag:s15], $0x320  }
0x21d: {  	[sflag:s15] =	ssyncset.done $0x0  }
0x21e: {  	[sflag:s15] =	ssyncadd.s32 $0xFFFFFCE0  }
0x21f: {  	[tilespmem:s18], [sflag:$0x5] =	stream.linear.gather [hbm4b:s19+s2], $0x320, $0x38;
	[tilespmem:$0x1A2C0] =	vst v63  }
0x220: {  	_ =	swait.ge [sflag:s15], $0x320  }
0x221: {  	[sflag:s15] =	ssyncset.done $0x0  }
0x222: {  	[sflag:s15] =	ssyncadd.s32 $0xFFFFFCE0  }
0x223: {  	[tilespmem:s20], [sflag:$0x5] =	stream.linear.gather [hbm4b:s17+s2], $0x320, $0x38;
	[tilespmem:$0x1A2C0] =	vst v63  }
0x224: {  	_ =	swait.ge [sflag:s15], $0x320  }
0x225: {  	[sflag:s15] =	ssyncset.done $0x0  }
0x226: {  	[sflag:s15] =	ssyncadd.s32 $0xFFFFFCE0  }
0x227: {  	[tilespmem:s10], [sflag:$0x5] =	stream.linear.gather [hbm4b:s6+s2], $0xC800, $0x38;
	[tilespmem:$0x1A2C0] =	vst v63  }
0x228: {  	_ =	swait.ge [sflag:s15], $0xC800  }
0x229: {  	[sflag:s15] =	ssyncset.done $0x0  }
0x22a: {  	[sflag:s15] =	ssyncadd.s32 $0xFFFF3800  }
0x22b: {  	[tilespmem:s10], [sflag:$0x2] =	stream.indirect.gather.add.f32 [hbm:s3], $0x40, s16, s16, $0xb8;
	[tilespmem:$0x1A2C0] =	vst v63  }
0x22c: {  	_ = 	snop  }
0x22d: {  	[tilespmem:s10], [sflag:$0x2] =	stream.indirect.gather.add.f32 [hbm:s4], $0x40, s18, s16, $0xb8;
	[tilespmem:$0x1A2C0] =	vst v63  }
0x22e: {  	_ = 	snop  }
0x22f: {  	[tilespmem:s10], [sflag:$0x2] =	stream.indirect.gather.add.f32 [hbm:s5], $0x40, s20, s16, $0xb8;
	[tilespmem:$0x1A2C0] =	vst v63  }
0x230: {  	_ =	swait.ge [sflag:s14], $0xC800  }
0x231: {  	[sflag:s14] =	ssyncset.done $0x0  }
0x232: {  	[sflag:s14] =	ssyncadd.s32 $0xFFFF3800  }
0x233: {  	_ =	swait.ge [sflag:s14], $0xC800  }
0x234: {  	[sflag:s14] =	ssyncset.done $0x0  }
0x235: {  	[sflag:s14] =	ssyncadd.s32 $0xFFFF3800  }
0x236: {  	_ =	swait.ge [sflag:s14], $0xC800  }
0x237: {  	[sflag:s14] =	ssyncset.done $0x0  }
0x238: {  	[sflag:s14] =	ssyncadd.s32 $0xFFFF3800  }
0x239: {  	[hbm4b:s8+s2] =	stream.linear.scatter [tilespmem:s12], [sflag:$0x3], $0xC800, $0x38;
	[tilespmem:$0x1A2C0] =	vst v63  }
0x23a: {  	_ =	swait.ge [sflag:s13], $0xC800  }
0x23b: {  	[sflag:s13] =	ssyncset.done $0x0  }
0x23c: {  	[sflag:s13] =	ssyncadd.s32 $0xFFFF3800  }
0x23d: {  	_ =	swait.ge [sflag:s13], $0xC800  }
0x23e: {  	[sflag:s13] =	ssyncset.done $0x0  }
0x23f: {  	[sflag:s13] =	ssyncadd.s32 $0xFFFF3800  }
0x240: {  	_ =	swait.ge [sflag:s13], $0xC800  }
0x241: {  	[sflag:s13] =	ssyncset.done $0x0  }
0x242: {  	p1 =	sne.s32 s1, $0x1;
	[sflag:s13] =	ssyncadd.s32 $0xFFFF3800  }
0x243: {  	[hbm4b:s7+s2] =	stream.linear.scatter [tilespmem:s10], [sflag:$0x4], $0xC800, $0x38;
	[tilespmem:$0x1A2C0] =	vst v63  }
.Ltmp2:
0x244: {  	_ =	swait.ge [sflag:s11], $0xC800;
	(pc) =	sbr.rel @p1 .LBB2_2-.Ltmp2, $4  }
0x245: {  	[sflag:s11] =	ssyncset.done $0x0  }
0x246: {  	[sflag:s11] =	ssyncadd.s32 $0xFFFF3800  }
0x247: {  	_ =	swait.ge [sflag:s9], $0xC800  }
0x248: {  	s1 =	sadd.s32 $0xFFFFFFFF, s1;
	s0 =	rddreg [dreg:$0x3];
	[sflag:s9] =	ssyncset.done $0x0  }
.LBB2_3:
0x249: {  	[sflag:s9] =	ssyncadd.s32 @p0 $0xFFFF3800  }
0x24a: {  	[tilespmem:s2], [sflag:$0x5] =	stream.linear.gather [hbm4b:s0+s2], $0x320, $0x38;
	[tilespmem:$0x1A2C0] =	vst v63  }
0x24b: {  	_ =	swait.ge [sflag:s15], $0x320  }
0x24c: {  	[sflag:s15] =	ssyncset.done $0x0  }
0x24d: {  	s1 =	rddreg [dreg:$0x4];
	[sflag:s15] =	ssyncadd.s32 $0xFFFFFCE0  }
0x24e: {  	[tilespmem:s25], [sflag:$0x5] =	stream.linear.gather [hbm4b:s1+s2], $0x320, $0x38;
	[tilespmem:$0x1A2C0] =	vst v63  }
0x24f: {  	_ =	swait.ge [sflag:s15], $0x320  }
0x250: {  	[sflag:s15] =	ssyncset.done $0x0  }
0x251: {  	s1 =	rddreg [dreg:$0x5];
	[sflag:s15] =	ssyncadd.s32 $0xFFFFFCE0  }
0x252: {  	[tilespmem:s26], [sflag:$0x5] =	stream.linear.gather [hbm4b:s1+s2], $0x320, $0x38;
	[tilespmem:$0x1A2C0] =	vst v63  }
0x253: {  	_ =	swait.ge [sflag:s15], $0x320  }
0x254: {  	[sflag:s15] =	ssyncset.done $0x0  }
0x255: {  	[sflag:s15] =	ssyncadd.s32 $0xFFFFFCE0  }
0x256: {  	[tilespmem:s12], [sflag:$0x5] =	stream.linear.gather [hbm4b:s6+s2], $0xC800, $0x38;
	[tilespmem:$0x1A2C0] =	vst v63  }
0x257: {  	_ =	swait.ge [sflag:s15], $0xC800  }
0x258: {  	[sflag:s15] =	ssyncset.done $0x0  }
0x259: {  	[sflag:s15] =	ssyncadd.s32 $0xFFFF3800  }
0x25a: {  	[tilespmem:s12], [sflag:$0x1] =	stream.indirect.gather.add.f32 [hbm:s3], $0x40, s2, s16, $0xb8;
	[tilespmem:$0x1A2C0] =	vst v63  }
0x25b: {  	_ = 	snop  }
0x25c: {  	[tilespmem:s12], [sflag:$0x1] =	stream.indirect.gather.add.f32 [hbm:s4], $0x40, s25, s16, $0xb8;
	[tilespmem:$0x1A2C0] =	vst v63  }
0x25d: {  	_ = 	snop  }
0x25e: {  	[tilespmem:s12], [sflag:$0x1] =	stream.indirect.gather.add.f32 [hbm:s5], $0x40, s26, s16, $0xb8;
	[tilespmem:$0x1A2C0] =	vst v63  }
0x25f: {  	s1 =	rddreg [dreg:$0x6]  }
0x260: {  	[tilespmem:s16], [sflag:$0x5] =	stream.linear.gather [hbm4b:s1+s2], $0x320, $0x38;
	[tilespmem:$0x1A2C0] =	vst v63  }
0x261: {  	_ =	swait.ge [sflag:s15], $0x320  }
0x262: {  	[sflag:s15] =	ssyncset.done $0x0  }
0x263: {  	s1 =	rddreg [dreg:$0x7];
	[sflag:s15] =	ssyncadd.s32 $0xFFFFFCE0  }
0x264: {  	[tilespmem:s18], [sflag:$0x5] =	stream.linear.gather [hbm4b:s1+s2], $0x320, $0x38;
	[tilespmem:$0x1A2C0] =	vst v63  }
0x265: {  	_ =	swait.ge [sflag:s15], $0x320  }
0x266: {  	[sflag:s15] =	ssyncset.done $0x0  }
0x267: {  	s1 =	rddreg [dreg:$0x8];
	[sflag:s15] =	ssyncadd.s32 $0xFFFFFCE0  }
0x268: {  	[tilespmem:s20], [sflag:$0x5] =	stream.linear.gather [hbm4b:s1+s2], $0x320, $0x38;
	[tilespmem:$0x1A2C0] =	vst v63  }
0x269: {  	_ =	swait.ge [sflag:s15], $0x320  }
0x26a: {  	[sflag:s15] =	ssyncset.done $0x0  }
0x26b: {  	[sflag:s15] =	ssyncadd.s32 $0xFFFFFCE0  }
0x26c: {  	[tilespmem:s10], [sflag:$0x5] =	stream.linear.gather [hbm4b:s6+s2], $0xC800, $0x38;
	[tilespmem:$0x1A2C0] =	vst v63  }
0x26d: {  	_ =	swait.ge [sflag:s15], $0xC800  }
0x26e: {  	[sflag:s15] =	ssyncset.done $0x0  }
0x26f: {  	[sflag:s15] =	ssyncadd.s32 $0xFFFF3800  }
0x270: {  	[tilespmem:s10], [sflag:$0x2] =	stream.indirect.gather.add.f32 [hbm:s3], $0x40, s16, s16, $0xb8;
	[tilespmem:$0x1A2C0] =	vst v63  }
0x271: {  	_ = 	snop  }
0x272: {  	[tilespmem:s10], [sflag:$0x2] =	stream.indirect.gather.add.f32 [hbm:s4], $0x40, s18, s16, $0xb8;
	[tilespmem:$0x1A2C0] =	vst v63  }
0x273: {  	_ = 	snop  }
0x274: {  	[tilespmem:s10], [sflag:$0x2] =	stream.indirect.gather.add.f32 [hbm:s5], $0x40, s20, s16, $0xb8;
	[tilespmem:$0x1A2C0] =	vst v63  }
0x275: {  	_ =	swait.ge [sflag:s14], $0xC800  }
0x276: {  	[sflag:s14] =	ssyncset.done $0x0  }
0x277: {  	[sflag:s14] =	ssyncadd.s32 $0xFFFF3800  }
0x278: {  	_ =	swait.ge [sflag:s14], $0xC800  }
0x279: {  	[sflag:s14] =	ssyncset.done $0x0  }
0x27a: {  	[sflag:s14] =	ssyncadd.s32 $0xFFFF3800  }
0x27b: {  	_ =	swait.ge [sflag:s14], $0xC800  }
0x27c: {  	[sflag:s14] =	ssyncset.done $0x0  }
0x27d: {  	s1 =	rddreg [dreg:$0x9];
	[sflag:s14] =	ssyncadd.s32 $0xFFFF3800  }
0x27e: {  	[hbm4b:s1+s2] =	stream.linear.scatter [tilespmem:s12], [sflag:$0x3], $0xC800, $0x38;
	[tilespmem:$0x1A2C0] =	vst v63  }
0x27f: {  	_ =	swait.ge [sflag:s9], $0xC800  }
0x280: {  	[sflag:s9] =	ssyncset.done $0x0  }
0x281: {  	s1 =	rddreg [dreg:$0xa];
	[sflag:s9] =	ssyncadd.s32 $0xFFFF3800  }
0x282: {  	[tilespmem:s2], [sflag:$0x5] =	stream.linear.gather [hbm4b:s1+s2], $0x320, $0x38;
	[tilespmem:$0x1A2C0] =	vst v63  }
0x283: {  	_ =	swait.ge [sflag:s15], $0x320  }
0x284: {  	[sflag:s15] =	ssyncset.done $0x0  }
0x285: {  	s1 =	rddreg [dreg:$0xb];
	[sflag:s15] =	ssyncadd.s32 $0xFFFFFCE0  }
0x286: {  	[tilespmem:s25], [sflag:$0x5] =	stream.linear.gather [hbm4b:s1+s2], $0x320, $0x38;
	[tilespmem:$0x1A2C0] =	vst v63  }
0x287: {  	_ =	swait.ge [sflag:s15], $0x320  }
0x288: {  	[sflag:s15] =	ssyncset.done $0x0  }
0x289: {  	s1 =	rddreg [dreg:$0xc];
	[sflag:s15] =	ssyncadd.s32 $0xFFFFFCE0  }
0x28a: {  	[tilespmem:s26], [sflag:$0x5] =	stream.linear.gather [hbm4b:s1+s2], $0x320, $0x38;
	[tilespmem:$0x1A2C0] =	vst v63  }
0x28b: {  	_ =	swait.ge [sflag:s15], $0x320  }
0x28c: {  	[sflag:s15] =	ssyncset.done $0x0  }
0x28d: {  	[sflag:s15] =	ssyncadd.s32 $0xFFFFFCE0  }
0x28e: {  	[tilespmem:s12], [sflag:$0x5] =	stream.linear.gather [hbm4b:s6+s2], $0xC800, $0x38;
	[tilespmem:$0x1A2C0] =	vst v63  }
0x28f: {  	_ =	swait.ge [sflag:s15], $0xC800  }
0x290: {  	[sflag:s15] =	ssyncset.done $0x0  }
0x291: {  	[sflag:s15] =	ssyncadd.s32 $0xFFFF3800  }
0x292: {  	[tilespmem:s12], [sflag:$0x1] =	stream.indirect.gather.add.f32 [hbm:s3], $0x40, s2, s16, $0xb8;
	[tilespmem:$0x1A2C0] =	vst v63  }
0x293: {  	_ = 	snop  }
0x294: {  	[tilespmem:s12], [sflag:$0x1] =	stream.indirect.gather.add.f32 [hbm:s4], $0x40, s25, s16, $0xb8;
	[tilespmem:$0x1A2C0] =	vst v63  }
0x295: {  	_ = 	snop  }
0x296: {  	[tilespmem:s12], [sflag:$0x1] =	stream.indirect.gather.add.f32 [hbm:s5], $0x40, s26, s16, $0xb8;
	[tilespmem:$0x1A2C0] =	vst v63  }
0x297: {  	_ =	swait.ge [sflag:s13], $0xC800  }
0x298: {  	[sflag:s13] =	ssyncset.done $0x0  }
0x299: {  	[sflag:s13] =	ssyncadd.s32 $0xFFFF3800  }
0x29a: {  	_ =	swait.ge [sflag:s13], $0xC800  }
0x29b: {  	[sflag:s13] =	ssyncset.done $0x0  }
0x29c: {  	[sflag:s13] =	ssyncadd.s32 $0xFFFF3800  }
0x29d: {  	_ =	swait.ge [sflag:s13], $0xC800  }
0x29e: {  	[sflag:s13] =	ssyncset.done $0x0  }
0x29f: {  	s1 =	rddreg [dreg:$0xd];
	[sflag:s13] =	ssyncadd.s32 $0xFFFF3800  }
0x2a0: {  	[hbm4b:s1+s2] =	stream.linear.scatter [tilespmem:s10], [sflag:$0x4], $0xC800, $0x38;
	[tilespmem:$0x1A2C0] =	vst v63  }
0x2a1: {  	_ =	swait.ge [sflag:s11], $0xC800  }
0x2a2: {  	[sflag:s11] =	ssyncset.done $0x0  }
0x2a3: {  	s1 =	rddreg [dreg:$0xe];
	[sflag:s11] =	ssyncadd.s32 $0xFFFF3800  }
0x2a4: {  	[tilespmem:s16], [sflag:$0x5] =	stream.linear.gather [hbm4b:s1+s2], $0x320, $0x38;
	[tilespmem:$0x1A2C0] =	vst v63  }
0x2a5: {  	_ =	swait.ge [sflag:s15], $0x320  }
0x2a6: {  	[sflag:s15] =	ssyncset.done $0x0  }
0x2a7: {  	s1 =	rddreg [dreg:$0xf];
	[sflag:s15] =	ssyncadd.s32 $0xFFFFFCE0  }
0x2a8: {  	[tilespmem:s18], [sflag:$0x5] =	stream.linear.gather [hbm4b:s1+s2], $0x320, $0x38;
	[tilespmem:$0x1A2C0] =	vst v63  }
0x2a9: {  	_ =	swait.ge [sflag:s15], $0x320  }
0x2aa: {  	[sflag:s15] =	ssyncset.done $0x0  }
0x2ab: {  	s1 =	rddreg [dreg:$0x10];
	[sflag:s15] =	ssyncadd.s32 $0xFFFFFCE0  }
0x2ac: {  	[tilespmem:s20], [sflag:$0x5] =	stream.linear.gather [hbm4b:s1+s2], $0x320, $0x38;
	[tilespmem:$0x1A2C0] =	vst v63  }
0x2ad: {  	_ =	swait.ge [sflag:s15], $0x320  }
0x2ae: {  	[sflag:s15] =	ssyncset.done $0x0  }
0x2af: {  	[sflag:s15] =	ssyncadd.s32 $0xFFFFFCE0  }
0x2b0: {  	[tilespmem:s10], [sflag:$0x5] =	stream.linear.gather [hbm4b:s6+s2], $0xC800, $0x38;
	[tilespmem:$0x1A2C0] =	vst v63  }
0x2b1: {  	_ =	swait.ge [sflag:s15], $0xC800  }
0x2b2: {  	[sflag:s15] =	ssyncset.done $0x0  }
0x2b3: {  	[sflag:s15] =	ssyncadd.s32 $0xFFFF3800  }
0x2b4: {  	[tilespmem:s10], [sflag:$0x2] =	stream.indirect.gather.add.f32 [hbm:s3], $0x40, s16, s16, $0xb8;
	[tilespmem:$0x1A2C0] =	vst v63  }
0x2b5: {  	_ = 	snop  }
0x2b6: {  	[tilespmem:s10], [sflag:$0x2] =	stream.indirect.gather.add.f32 [hbm:s4], $0x40, s18, s16, $0xb8;
	[tilespmem:$0x1A2C0] =	vst v63  }
0x2b7: {  	_ = 	snop  }
0x2b8: {  	[tilespmem:s10], [sflag:$0x2] =	stream.indirect.gather.add.f32 [hbm:s5], $0x40, s20, s16, $0xb8;
	[tilespmem:$0x1A2C0] =	vst v63  }
0x2b9: {  	_ =	swait.ge [sflag:s14], $0xC800  }
0x2ba: {  	[sflag:s14] =	ssyncset.done $0x0  }
0x2bb: {  	[sflag:s14] =	ssyncadd.s32 $0xFFFF3800  }
0x2bc: {  	_ =	swait.ge [sflag:s14], $0xC800  }
0x2bd: {  	[sflag:s14] =	ssyncset.done $0x0  }
0x2be: {  	[sflag:s14] =	ssyncadd.s32 $0xFFFF3800  }
0x2bf: {  	_ =	swait.ge [sflag:s14], $0xC800  }
0x2c0: {  	[sflag:s14] =	ssyncset.done $0x0  }
0x2c1: {  	s1 =	rddreg [dreg:$0x11];
	[sflag:s14] =	ssyncadd.s32 $0xFFFF3800  }
0x2c2: {  	[hbm4b:s1+s2] =	stream.linear.scatter [tilespmem:s12], [sflag:$0x3], $0xC800, $0x38;
	[tilespmem:$0x1A2C0] =	vst v63  }
0x2c3: {  	_ =	swait.ge [sflag:s9], $0xC800  }
0x2c4: {  	[sflag:s9] =	ssyncset.done $0x0  }
0x2c5: {  	s1 =	rddreg [dreg:$0x12];
	[sflag:s9] =	ssyncadd.s32 $0xFFFF3800  }
0x2c6: {  	[tilespmem:s2], [sflag:$0x5] =	stream.linear.gather [hbm4b:s1+s2], $0x320, $0x38;
	[tilespmem:$0x1A2C0] =	vst v63  }
0x2c7: {  	_ =	swait.ge [sflag:s15], $0x320  }
0x2c8: {  	[sflag:s15] =	ssyncset.done $0x0  }
0x2c9: {  	s1 =	rddreg [dreg:$0x13];
	[sflag:s15] =	ssyncadd.s32 $0xFFFFFCE0  }
0x2ca: {  	[tilespmem:s25], [sflag:$0x5] =	stream.linear.gather [hbm4b:s1+s2], $0x320, $0x38;
	[tilespmem:$0x1A2C0] =	vst v63  }
0x2cb: {  	_ =	swait.ge [sflag:s15], $0x320  }
0x2cc: {  	[sflag:s15] =	ssyncset.done $0x0  }
0x2cd: {  	s1 =	rddreg [dreg:$0x14];
	[sflag:s15] =	ssyncadd.s32 $0xFFFFFCE0  }
0x2ce: {  	[tilespmem:s26], [sflag:$0x5] =	stream.linear.gather [hbm4b:s1+s2], $0x320, $0x38;
	[tilespmem:$0x1A2C0] =	vst v63  }
0x2cf: {  	_ =	swait.ge [sflag:s15], $0x320  }
0x2d0: {  	[sflag:s15] =	ssyncset.done $0x0  }
0x2d1: {  	[sflag:s15] =	ssyncadd.s32 $0xFFFFFCE0  }
0x2d2: {  	[tilespmem:s12], [sflag:$0x5] =	stream.linear.gather [hbm4b:s6+s2], $0xC800, $0x38;
	[tilespmem:$0x1A2C0] =	vst v63  }
0x2d3: {  	_ =	swait.ge [sflag:s15], $0xC800  }
0x2d4: {  	[sflag:s15] =	ssyncset.done $0x0  }
0x2d5: {  	[sflag:s15] =	ssyncadd.s32 $0xFFFF3800  }
0x2d6: {  	[tilespmem:s12], [sflag:$0x1] =	stream.indirect.gather.add.f32 [hbm:s3], $0x40, s2, s16, $0xb8;
	[tilespmem:$0x1A2C0] =	vst v63  }
0x2d7: {  	_ = 	snop  }
0x2d8: {  	[tilespmem:s12], [sflag:$0x1] =	stream.indirect.gather.add.f32 [hbm:s4], $0x40, s25, s16, $0xb8;
	[tilespmem:$0x1A2C0] =	vst v63  }
0x2d9: {  	_ = 	snop  }
0x2da: {  	[tilespmem:s12], [sflag:$0x1] =	stream.indirect.gather.add.f32 [hbm:s5], $0x40, s26, s16, $0xb8;
	[tilespmem:$0x1A2C0] =	vst v63  }
0x2db: {  	_ =	swait.ge [sflag:s13], $0xC800  }
0x2dc: {  	[sflag:s13] =	ssyncset.done $0x0  }
0x2dd: {  	[sflag:s13] =	ssyncadd.s32 $0xFFFF3800  }
0x2de: {  	_ =	swait.ge [sflag:s13], $0xC800  }
0x2df: {  	[sflag:s13] =	ssyncset.done $0x0  }
0x2e0: {  	[sflag:s13] =	ssyncadd.s32 $0xFFFF3800  }
0x2e1: {  	_ =	swait.ge [sflag:s13], $0xC800  }
0x2e2: {  	[sflag:s13] =	ssyncset.done $0x0  }
0x2e3: {  	s1 =	rddreg [dreg:$0x15];
	[sflag:s13] =	ssyncadd.s32 $0xFFFF3800  }
0x2e4: {  	[hbm4b:s1+s2] =	stream.linear.scatter [tilespmem:s10], [sflag:$0x4], $0xC800, $0x38;
	[tilespmem:$0x1A2C0] =	vst v63  }
0x2e5: {  	_ =	swait.ge [sflag:s11], $0xC800  }
0x2e6: {  	[sflag:s11] =	ssyncset.done $0x0  }
0x2e7: {  	s1 =	rddreg [dreg:$0x16];
	[sflag:s11] =	ssyncadd.s32 $0xFFFF3800  }
0x2e8: {  	[tilespmem:s16], [sflag:$0x5] =	stream.linear.gather [hbm4b:s1+s2], $0x320, $0x38;
	[tilespmem:$0x1A2C0] =	vst v63  }
0x2e9: {  	_ =	swait.ge [sflag:s15], $0x320  }
0x2ea: {  	[sflag:s15] =	ssyncset.done $0x0  }
0x2eb: {  	[sflag:s15] =	ssyncadd.s32 $0xFFFFFCE0  }
0x2ec: {  	[tilespmem:s18], [sflag:$0x5] =	stream.linear.gather [hbm4b:s31+s2], $0x320, $0x38;
	[tilespmem:$0x1A2C0] =	vst v63  }
0x2ed: {  	_ =	swait.ge [sflag:s15], $0x320  }
0x2ee: {  	[sflag:s15] =	ssyncset.done $0x0  }
0x2ef: {  	[sflag:s15] =	ssyncadd.s32 $0xFFFFFCE0  }
0x2f0: {  	[tilespmem:s20], [sflag:$0x5] =	stream.linear.gather [hbm4b:s30+s2], $0x320, $0x38;
	[tilespmem:$0x1A2C0] =	vst v63  }
0x2f1: {  	_ =	swait.ge [sflag:s15], $0x320  }
0x2f2: {  	[sflag:s15] =	ssyncset.done $0x0  }
0x2f3: {  	[sflag:s15] =	ssyncadd.s32 $0xFFFFFCE0  }
0x2f4: {  	[tilespmem:s10], [sflag:$0x5] =	stream.linear.gather [hbm4b:s6+s2], $0xC800, $0x38;
	[tilespmem:$0x1A2C0] =	vst v63  }
0x2f5: {  	_ =	swait.ge [sflag:s15], $0xC800  }
0x2f6: {  	[sflag:s15] =	ssyncset.done $0x0  }
0x2f7: {  	[sflag:s15] =	ssyncadd.s32 $0xFFFF3800  }
0x2f8: {  	[tilespmem:s10], [sflag:$0x2] =	stream.indirect.gather.add.f32 [hbm:s3], $0x40, s16, s16, $0xb8;
	[tilespmem:$0x1A2C0] =	vst v63  }
0x2f9: {  	_ = 	snop  }
0x2fa: {  	[tilespmem:s10], [sflag:$0x2] =	stream.indirect.gather.add.f32 [hbm:s4], $0x40, s18, s16, $0xb8;
	[tilespmem:$0x1A2C0] =	vst v63  }
0x2fb: {  	_ = 	snop  }
0x2fc: {  	[tilespmem:s10], [sflag:$0x2] =	stream.indirect.gather.add.f32 [hbm:s5], $0x40, s20, s16, $0xb8;
	[tilespmem:$0x1A2C0] =	vst v63  }
0x2fd: {  	_ =	swait.ge [sflag:s14], $0xC800  }
0x2fe: {  	[sflag:s14] =	ssyncset.done $0x0  }
0x2ff: {  	[sflag:s14] =	ssyncadd.s32 $0xFFFF3800  }
0x300: {  	_ =	swait.ge [sflag:s14], $0xC800  }
0x301: {  	[sflag:s14] =	ssyncset.done $0x0  }
0x302: {  	[sflag:s14] =	ssyncadd.s32 $0xFFFF3800  }
0x303: {  	_ =	swait.ge [sflag:s14], $0xC800  }
0x304: {  	[sflag:s14] =	ssyncset.done $0x0  }
0x305: {  	[sflag:s14] =	ssyncadd.s32 $0xFFFF3800  }
0x306: {  	[hbm4b:s29+s2] =	stream.linear.scatter [tilespmem:s12], [sflag:$0x3], $0xC800, $0x38;
	[tilespmem:$0x1A2C0] =	vst v63  }
0x307: {  	_ =	swait.ge [sflag:s9], $0xC800  }
0x308: {  	[sflag:s9] =	ssyncset.done $0x0  }
0x309: {  	[sflag:s9] =	ssyncadd.s32 $0xFFFF3800  }
0x30a: {  	[tilespmem:s2], [sflag:$0x5] =	stream.linear.gather [hbm4b:s28+s2], $0x320, $0x38;
	[tilespmem:$0x1A2C0] =	vst v63  }
0x30b: {  	_ =	swait.ge [sflag:s15], $0x320  }
0x30c: {  	[sflag:s15] =	ssyncset.done $0x0  }
0x30d: {  	[sflag:s15] =	ssyncadd.s32 $0xFFFFFCE0  }
0x30e: {  	[tilespmem:s25], [sflag:$0x5] =	stream.linear.gather [hbm4b:s24+s2], $0x320, $0x38;
	[tilespmem:$0x1A2C0] =	vst v63  }
0x30f: {  	_ =	swait.ge [sflag:s15], $0x320  }
0x310: {  	[sflag:s15] =	ssyncset.done $0x0  }
0x311: {  	[sflag:s15] =	ssyncadd.s32 $0xFFFFFCE0  }
0x312: {  	[tilespmem:s26], [sflag:$0x5] =	stream.linear.gather [hbm4b:s23+s2], $0x320, $0x38;
	[tilespmem:$0x1A2C0] =	vst v63  }
0x313: {  	_ =	swait.ge [sflag:s15], $0x320  }
0x314: {  	[sflag:s15] =	ssyncset.done $0x0  }
0x315: {  	[sflag:s15] =	ssyncadd.s32 $0xFFFFFCE0  }
0x316: {  	[tilespmem:s12], [sflag:$0x5] =	stream.linear.gather [hbm4b:s6+s2], $0xC800, $0x38;
	[tilespmem:$0x1A2C0] =	vst v63  }
0x317: {  	_ =	swait.ge [sflag:s15], $0xC800  }
0x318: {  	[sflag:s15] =	ssyncset.done $0x0  }
0x319: {  	[sflag:s15] =	ssyncadd.s32 $0xFFFF3800  }
0x31a: {  	[tilespmem:s12], [sflag:$0x1] =	stream.indirect.gather.add.f32 [hbm:s3], $0x40, s2, s16, $0xb8;
	[tilespmem:$0x1A2C0] =	vst v63  }
0x31b: {  	_ = 	snop  }
0x31c: {  	[tilespmem:s12], [sflag:$0x1] =	stream.indirect.gather.add.f32 [hbm:s4], $0x40, s25, s16, $0xb8;
	[tilespmem:$0x1A2C0] =	vst v63  }
0x31d: {  	_ = 	snop  }
0x31e: {  	[tilespmem:s12], [sflag:$0x1] =	stream.indirect.gather.add.f32 [hbm:s5], $0x40, s26, s16, $0xb8;
	[tilespmem:$0x1A2C0] =	vst v63  }
0x31f: {  	_ =	swait.ge [sflag:s13], $0xC800  }
0x320: {  	[sflag:s13] =	ssyncset.done $0x0  }
0x321: {  	[sflag:s13] =	ssyncadd.s32 $0xFFFF3800  }
0x322: {  	_ =	swait.ge [sflag:s13], $0xC800  }
0x323: {  	[sflag:s13] =	ssyncset.done $0x0  }
0x324: {  	[sflag:s13] =	ssyncadd.s32 $0xFFFF3800  }
0x325: {  	_ =	swait.ge [sflag:s13], $0xC800  }
0x326: {  	[sflag:s13] =	ssyncset.done $0x0  }
0x327: {  	[sflag:s13] =	ssyncadd.s32 $0xFFFF3800  }
0x328: {  	[hbm4b:s22+s2] =	stream.linear.scatter [tilespmem:s10], [sflag:$0x4], $0xC800, $0x38;
	[tilespmem:$0x1A2C0] =	vst v63  }
0x329: {  	_ =	swait.ge [sflag:s11], $0xC800  }
0x32a: {  	[sflag:s11] =	ssyncset.done $0x0  }
0x32b: {  	[sflag:s11] =	ssyncadd.s32 $0xFFFF3800  }
0x32c: {  	[tilespmem:s16], [sflag:$0x5] =	stream.linear.gather [hbm4b:s21+s2], $0x320, $0x38;
	[tilespmem:$0x1A2C0] =	vst v63  }
0x32d: {  	_ =	swait.ge [sflag:s15], $0x320  }
0x32e: {  	[sflag:s15] =	ssyncset.done $0x0  }
0x32f: {  	[sflag:s15] =	ssyncadd.s32 $0xFFFFFCE0  }
0x330: {  	[tilespmem:s18], [sflag:$0x5] =	stream.linear.gather [hbm4b:s19+s2], $0x320, $0x38;
	[tilespmem:$0x1A2C0] =	vst v63  }
0x331: {  	_ =	swait.ge [sflag:s15], $0x320  }
0x332: {  	[sflag:s15] =	ssyncset.done $0x0  }
0x333: {  	[sflag:s15] =	ssyncadd.s32 $0xFFFFFCE0  }
0x334: {  	[tilespmem:s20], [sflag:$0x5] =	stream.linear.gather [hbm4b:s17+s2], $0x320, $0x38;
	[tilespmem:$0x1A2C0] =	vst v63  }
0x335: {  	_ =	swait.ge [sflag:s15], $0x320  }
0x336: {  	[sflag:s15] =	ssyncset.done $0x0  }
0x337: {  	[sflag:s15] =	ssyncadd.s32 $0xFFFFFCE0  }
0x338: {  	[tilespmem:s10], [sflag:$0x5] =	stream.linear.gather [hbm4b:s6+s2], $0xC800, $0x38;
	[tilespmem:$0x1A2C0] =	vst v63  }
0x339: {  	_ =	swait.ge [sflag:s15], $0xC800  }
0x33a: {  	[sflag:s15] =	ssyncset.done $0x0  }
0x33b: {  	[sflag:s15] =	ssyncadd.s32 $0xFFFF3800  }
0x33c: {  	[tilespmem:s10], [sflag:$0x2] =	stream.indirect.gather.add.f32 [hbm:s3], $0x40, s16, s16, $0xb8;
	[tilespmem:$0x1A2C0] =	vst v63  }
0x33d: {  	_ = 	snop  }
0x33e: {  	[tilespmem:s10], [sflag:$0x2] =	stream.indirect.gather.add.f32 [hbm:s4], $0x40, s18, s16, $0xb8;
	[tilespmem:$0x1A2C0] =	vst v63  }
0x33f: {  	_ = 	snop  }
0x340: {  	[tilespmem:s10], [sflag:$0x2] =	stream.indirect.gather.add.f32 [hbm:s5], $0x40, s20, s16, $0xb8;
	[tilespmem:$0x1A2C0] =	vst v63  }
0x341: {  	_ =	swait.ge [sflag:s14], $0xC800  }
0x342: {  	[sflag:s14] =	ssyncset.done $0x0  }
0x343: {  	[sflag:s14] =	ssyncadd.s32 $0xFFFF3800  }
0x344: {  	_ =	swait.ge [sflag:s14], $0xC800  }
0x345: {  	[sflag:s14] =	ssyncset.done $0x0  }
0x346: {  	[sflag:s14] =	ssyncadd.s32 $0xFFFF3800  }
0x347: {  	_ =	swait.ge [sflag:s14], $0xC800  }
0x348: {  	[sflag:s14] =	ssyncset.done $0x0  }
0x349: {  	[sflag:s14] =	ssyncadd.s32 $0xFFFF3800  }
0x34a: {  	[hbm4b:s8+s2] =	stream.linear.scatter [tilespmem:s12], [sflag:$0x3], $0xC800, $0x38;
	[tilespmem:$0x1A2C0] =	vst v63  }
0x34b: {  	_ =	swait.ge [sflag:s13], $0xC800  }
0x34c: {  	[sflag:s13] =	ssyncset.done $0x0  }
0x34d: {  	[sflag:s13] =	ssyncadd.s32 $0xFFFF3800  }
0x34e: {  	_ =	swait.ge [sflag:s13], $0xC800  }
0x34f: {  	[sflag:s13] =	ssyncset.done $0x0  }
0x350: {  	[sflag:s13] =	ssyncadd.s32 $0xFFFF3800  }
0x351: {  	_ =	swait.ge [sflag:s13], $0xC800  }
0x352: {  	[sflag:s13] =	ssyncset.done $0x0  }
0x353: {  	[sflag:s13] =	ssyncadd.s32 $0xFFFF3800  }
0x354: {  	[hbm4b:s7+s2] =	stream.linear.scatter [tilespmem:s10], [sflag:$0x4], $0xC800, $0x38;
	[tilespmem:$0x1A2C0] =	vst v63  }
0x355: {  	_ =	swait.ge [sflag:s11], $0xC800  }
0x356: {  	[sflag:s11] =	ssyncset.done $0x0  }
0x357: {  	[sflag:s11] =	ssyncadd.s32 $0xFFFF3800  }
0x358: {  	_ =	swait.ge [sflag:s9], $0xC800  }
0x359: {  	[sflag:s9] =	ssyncset.done $0x0  }
0x35a: {  	[sflag:s9] =	ssyncadd.s32 $0xFFFF3800  }
0x35b: {  	_ =	sfence.sel $0x180000  }
0x35c: {  	[bflag:$0x0] =	sbarrier.arrive $0xFFFF  }
0x35d: {  	_ =	strace $0x90000047  }
0x35e: {  	s31 =	stileid.u32;
	[bflag:$0x2] =	sbarrier.arrive $0xFFFF  }
0x35f: {  	p0 =	sne.s32 s31, $0x0;
	s0 =	rddreg [dreg:$0x2]  }
0x360: {  	s0 =	sadd.s32 @!p0 $0x100000, s0  }
0x361: {  	[sflag:s0] =	ssyncadd.tile.s32 @!p0 $0x1;
	_ =	shalt  }
.Lfunc_end2:
_tile_overlayer_lowered:
.L_overlay_start_2:
0x362: {  	(tag) =	ssettag $0x2  }
0x363: {  	s0 =	rddreg [dreg:$0x0];
	s2 =	stileid.u32  }
0x364: {  	s1 =	rddreg [dreg:$0x1];
	p0 =	sne.s32 s2, $0x0  }
0x365: {  	s3 =	rddreg [dreg:$0x2];
	[bflag:$0x3] =	sbarrier.arrive $0xFFFF;
	s2 =	simm.s32 @!p0 $0x1C05  }
0x366: {  	[timem:s3], [sflag:s2] =	dma.local @!p0 [hbm:s0], s1  }
0x367: {  	s0 =	simm.s32 @!p0 $0x5  }
0x368: {  	_ =	swait.ge @!p0 [sflag:s0], s1  }
0x369: {  	s1 =	ssub.s32 @!p0 $0x0, s1;
	[sflag:s0] =	ssyncset.done @!p0 $0x0  }
0x36a: {  	[sflag:s0] =	ssyncadd.s32 @!p0 s1  }
0x36b: {  	[bflag:$0x3] =	sbarrier.arrive $0xFFFF  }
0x36c: {  	_ =	shalt  }

// kernel: sparse-core-data-format-call.cloned.1.call-start
scs
called_computation_lowered:
.L_overlay_start_0:
0x0: {  	s2 =	sld [smem:$0x3FD9]  }
0x1: {  	s3 =	sld [smem:$0x3FFE];
	_ =	sdelay $0x1  }
0x2: {  	s1 =	srdreg.scid  }
0x3: {  	s0 =	sand.u32 $0x1, s1  }
0x4: {  	s18 =	sshll.u32 s0, $0xA;
	s2 =	sadd.s32 s3, s2  }
0x5: {  	s2 =	sadd.s32 s2, s18  }
0x6: {  	[smem:$0x3FC0] =	sst s2  }
0x7: {  	_ = 	snop  }
0x8: {  	s2 =	sld [smem:$0x3FD0];
	(tm) =	ssettm $0x1  }
0x9: {  	s19 =	sld [smem:$0x3FFB];
	_ =	sdelay $0x3  }
0xa: {  	_ =	strace s19  }
0xb: {  	s3 =	sld [smem:$0x3FFC];
	_ =	sdelay $0x3  }
0xc: {  	_ =	strace s3  }
0xd: {  	s3 =	sld [smem:$0x3FFD];
	_ =	sdelay $0x3  }
0xe: {  	_ =	strace s3  }
0xf: {  	_ =	strace $0x8FFFFFFF  }
0x10: {  	s20 =	sld [smem:$0x3FDB];
	_ =	sdelay $0x1  }
0x11: {  	s4 =	simm.s32 $_scs_section_size  }
0x12: {  	s5 =	simm.s32 $_size__tile_overlayer_lowered;
	s6 =	simm.s32 $_tile_overlayer_lowered  }
0x13: {  	s23 =	simm.s32 $0x1BFF;
	s22 =	sshll.u32 s6, $0x1;
	s3 =	sadd.s32 s4, s20  }
0x14: {  	s7 =	simm.s32 $0x0;
	s21 =	sshll.u32 s5, $0x1;
	s5 =	sadd.s32 s22, s3  }
0x15: {  	[timem:s7], [sflag:s23] =	dma.local [hbm:s5], s21  }
0x16: {  	_ =	swait.ge [sflag:s23], s21  }
0x17: {  	s4 =	ssub.s32 $0x0, s21;
	[sflag:s23] =	ssyncset.done $0x0  }
0x18: {  	[sflag:s23] =	ssyncadd.s32 s4;
	_ =	sdelay $0x1  }
0x19: {  	s24 =	simm.s32 $0x1B8B  }
0x1a: {  	_ =	swait.ge [sflag:s24], $0x1  }
0x1b: {  	[sflag:s24] =	ssyncset.done $0x0  }
0x1c: {  	s26 =	simm.s32 $0x1B8E;
	s25 =	sld [smem:$0x3FFE];
	[sflag:s24] =	ssyncadd.s32 $0xFFFFFFFF  }
0x1d: {  	s27 =	simm.s32 $execute0_lowered;
	[smem:$0x3FD2] =	sst s26  }
0x1e: {  	s5 =	sshll.u32 s27, $0x1;
	_ =	strace $0x80000049;
	[dreg:$0x1] =	wrdreg $0xFFFFFFFF  }
0x1f: {  	s28 =	simm.s32 $_size_execute0_lowered;
	s3 =	sadd.s32 s3, s5;
	[dreg:$0x0] =	wrdreg $0x0  }
0x20: {  	s5 =	sshll.u32 s28, $0x1;
	[dreg:$0x2] =	wrdreg s3  }
0x21: {  	[dreg:$0x3] =	wrdreg s5  }
0x22: {  	[dreg:$0x4] =	wrdreg $0xC0  }
0x23: {  	_ =	task [dreg:s7], $0x5FFFF  }
0x24: {  	[dreg:$0x1] =	wrdreg $0xFFFFFFFF  }
0x25: {  	[dreg:$0x0] =	wrdreg $0x60  }
0x26: {  	[dreg:$0x2] =	wrdreg s25  }
0x27: {  	[dreg:$0x3] =	wrdreg s2  }
0x28: {  	[dreg:$0x4] =	wrdreg $0x9  }
0x29: {  	_ =	task.clear_ibuf [dreg:s7], $0x5FFFF;
	_ =	strace $0x90000049  }
0x2a: {  	s29 =	simm.s32 $0x9;
	_ =	strace $0x8000004B  }
0x2b: {  	_ =	swait.ge [sflag:s29], $0x1  }
0x2c: {  	[sflag:s29] =	ssyncadd.s32 $0xFFFFFFFF  }
0x2d: {  	_ =	strace $0x9000004B  }
0x2e: {  	_ =	sfence  }
0x2f: {  	s30 =	sld [smem:$0x0];
	_ =	sdelay $0x2  }
0x30: {  	s31 =	sshll.u32 s1, $0xD;
	s1 =	sshrl.u32 s1, $0x2  }
0x31: {  	s3 =	sand.u32 $0x4000, s31;
	s1 =	sadd.s32 s1, s30  }
0x32: {  	s0 =	sor.u32 s3, s0;
	s1 =	sshll.u32 s1, $0x11  }
0x33: {  	s0 =	sor.u32 s1, s0  }
0x34: {  	s0 =	sadd.s32 $0x8F2B, s0  }
0x35: {  	[sflag:s0] =	ssyncadd.remote.s32 $0x1  }
0x36: {  	_ =	sfence.sel $0xFFFF  }
0x37: {  	[dreg:$0x0] =	wrdreg $0xFFFFFFFF;
	(pc) =	sbr.abs _section_cstart, $3  }
0x38: {  	[dreg:$0x1] =	wrdreg $0xFFFFFFFF  }
0x39: {  	_ =	task.clear_ibuf [dreg:s7], $0x2FFFF;
	_ =	strace $0x9FFFFFFF  }
0x3a: {  	(tm) =	ssettm $0x7FFFFFFF  }
0x3b: {  	_ =	shalt  }
tec
execute0_lowered:
.L_overlay_start_1:
0x0: {  	(tag) =	ssettag $0x1  }
0x1: {  	s0 =	srdreg.scid  }
0x2: {  	s1 =	sshll.u32 s0, $0x4  }
0x3: {  	s0 =	stileid.u32;
	s1 =	sand.u32 $0x10, s1  }
0x4: {  	s1 =	sor.u32 s0, s1  }
0x5: {  	s6 =	rddreg [dreg:$0x0];
	s4 =	simm.s32 $0x1;
	s2 =	sshll.u32 s1, $0x7  }
0x6: {  	s7 =	simm.s32 $0x2;
	s12 =	simm.s32 $0x0;
	s1 =	ssub.s32 $0x1000, s2  }
0x7: {  	s8 =	simm.s32 $0x8000;
	s13 =	simm.s32 $0x0;
	s3 =	sand.u32 $0xF80, s1  }
0x8: {  	s9 =	simm.s32 $0x0;
	s5 =	sshrl.u32 s1, $0xC;
	p0 =	sne.s32 s3, $0x0  }
.Ltmp0:
0x9: {  	s1 =	rddreg [dreg:$0x2];
	s4 =	simm.s32 @!p0 $0x0;
	(pc) =	sbr.rel .LBB1_1-.Ltmp0, $4  }
0xa: {  	s11 =	simm.s32 $0x0;
	s3 =	rddreg [dreg:$0x1];
	s5 =	sadd.s32 s4, s5  }
0xb: {  	_ =	strace $0x8000004A;
	s4 =	simm.s32 $0x1;
	s5 =	smul.u32 $0x32, s5  }
0xc: {  	s6 =	sadd.s32 $0x2800, s6;
	s10 =	smov.u32 s2;
	[sflag:s4] =	ssyncpa.u1 $0x0  }
0xd: {  	p0 =	por $0x0, $0x0;
	[sflag:s7] =	ssyncpa.u1 $0x0;
	s7 =	sor.u32 $0x1, s5  }
.LBB1_4:
0xe: {  	s16 =	sshll.u32 s13, $0x3;
	s17 =	sand.u32 $0x78, s13  }
0xf: {  	s30 =	sand.u32 $0x7E00, s13;
	s12 =	sshll.u32 s12, $0xF;
	s16 =	sand.u32 $0xC00, s16  }
0x10: {  	[tilespmem:s15+$0x810 ss:$0x81] =	vst.msk $0xffff, v2;
	s31 =	sand.u32 $0x7, s13;
	s16 =	sor.u32 s17, s16;
	s17 =	sadd.s32 s3, s30  }
0x11: {  	[tilespmem:s15+$0x1020 ss:$0x81] =	vst.msk $0xffff, v0;
	s13 =	sshll.u32 s31, $0x12;
	s12 =	sadd.s32 s12, s17;
	s16 =	sshrl.u32 s16, $0x3  }
0x12: {  	[tilespmem:s15+$0x0 ss:$0x81] =	vst.msk $0xffff, v1;
	s13 =	sor.u32 $0x400, s13;
	s12 =	sadd.s32 s16, s12  }
0x13: {  	[hbm4b:s12+s13] =	stream.strided.scatter [tilespmem:s14], [sflag:$0x2], $0x2000, s8, s13, $0x20;
	[tilespmem:$0x8080] =	vst v63  }
.LBB1_5:
0x14: {  	s14 =	sadd.s32 $0x1, s9  }
0x15: {  	s12 =	sadd.s32 $0x1000, s10;
	s16 =	smov.u32 s10;
	p2 =	sgt.s32 s14, $0x31  }
0x16: {  	s16 =	smov.u32 @p2 s12  }
0x17: {  	s14 =	simm.s32 @p2 $0x0;
	p2 =	sgt.s32 s16, $0xFFF  }
0x18: {  	s16 =	smov.u32 @p2 s2;
	p2 =	sne.s32 s11, s7  }
.Ltmp1:
0x19: {  	p1 =	slt.u32 s11, $0x2;
	(pc) =	sbr.rel @!p2 .LBB1_6-.Ltmp1, $4  }
0x1a: {  	s15 =	simm.s32 @!p1 $0x2  }
0x1b: {  	s13 =	smov.u32 s10;
	p0 =	por !p0, !p0;
	_ =	swait.ge @!p1 [sflag:s15], $0x2000  }
0x1c: {  	s12 =	smov.u32 s9;
	[sflag:s15] =	ssyncset.done @!p1 $0x0;
	s9 =	smov.u32 s14  }
0x1d: {  	s11 =	sadd.s32 $0x1, s11;
	[sflag:s15] =	ssyncadd.s32 @!p1 $0xFFFFE000;
	s10 =	smov.u32 s16  }
.LBB1_1:
0x1e: {  	p1 =	sge.u32 s11, s5  }
0x1f: {  	s14 =	sand.u32 @!p1 $0x1FFFFFF, s9  }
0x20: {  	s15 =	smulhi.u32 @!p1 $0x4924925, s14;
	_ =	sdelay $0x1  }
0x21: {  	s15 =	smul.u32 @!p1 $0x38, s15  }
0x22: {  	s16 =	sxor.u32 @!p1 $0xFFFFFFFF, s11;
	s17 =	smul.u32 @!p1 $0x380, s10  }
0x23: {  	s31 =	sadd.s32 $0xFFFFFFFF, s11;
	s16 =	sshll.u32 @!p1 s16, $0xD;
	s14 =	ssub.s32 @!p1 s14, s15  }
0x24: {  	s15 =	sand.u32 @!p1 $0x2000, s16;
	s16 =	sadd.s32 @!p1 s6, s17;
	s14 =	sshll.u32 @!p1 s14, $0x4  }
0x25: {  	s17 =	simm.s32 @!p1 $0x1C00;
	s14 =	sadd.s32 @!p1 s14, s16;
	s16 =	simm.s32 @!p1 $0x40  }
0x26: {  	[tilespmem:s15], [sflag:$0x1] =	stream.strided.gather @!p1 [hbm4b:s14+s16], $0x2000, s17, s16, $0x38;
	[tilespmem:$0x8080] =	vst v63  }
0x27: {  	p1 =	sge.u32 s31, s5  }
.Ltmp2:
0x28: {  	_ = 	snop;
	(pc) =	sbr.rel @p1 .LBB1_5-.Ltmp2, $1  }
0x29: {  	_ =	sdelay $0x3  }
0x2a: {  	s14 =	simm.s32 $0x1  }
0x2b: {  	_ =	swait.ge [sflag:s4], $0x2000;
	s14 =	simm.s32 @!p0 $0x0  }
0x2c: {  	[sflag:s4] =	ssyncset.done $0x0;
	s15 =	sshll.u32 s14, $0xD  }
0x2d: {  	[sflag:s4] =	ssyncadd.s32 $0xFFFFE000;
	s18 =	sor.u32 $0x20, s15  }
0x2e: {  	s14 =	smul.u32 $0x8100, s14;
	v3 =	vld [tilespmem:s18+$0x10]  }
0x2f: {  	s30 =	sand.u32 $0x1, s11;
	v2 =	vld [tilespmem:s18+$0xFFFFFFF0]  }
0x30: {  	s15 =	smul.u32 $0x8100, s30;
	s14 =	sshrl.u32 s14, $0x2;
	v0 =	vld [tilespmem:s18+$0x0]  }
0x31: {  	v1 =	vld [tilespmem:s18+$0xFFFFFFE0];
	s16 =	sor.u32 $0x4000, s14  }
0x32: {  	s31 =	sshrl.u32 s15, $0x2;
	s15 =	sadd.s32 $0x0, s16  }
0x33: {  	s17 =	simm.s32 $0x4;
	s18 =	sadd.s32 $0x40, s18;
	s14 =	sor.u32 $0x4000, s31;
	[tilespmem:s15+$0x1830 ss:$0x81] =	vst.msk $0xffff, v3  }
.LBB1_3:
0x34: {  	v3 =	vld [tilespmem:s18+$0x10];
	p1 =	sne.s32 s17, $0x1FC;
	[tilespmem:s15+$0x810 ss:$0x81] =	vst.msk $0xffff, v2;
	s19 =	smov.u32 s17;
	s17 =	sadd.s32 $0x4, s17  }
.Ltmp3:
0x35: {  	v2 =	vld [tilespmem:s18+$0xFFFFFFF0];
	[tilespmem:s15+$0x1020 ss:$0x81] =	vst.msk $0xffff, v0;
	(pc) =	sbr.rel @p1 .LBB1_3-.Ltmp3, $4  }
0x36: {  	v0 =	vld [tilespmem:s18+$0x0];
	[tilespmem:s15+$0x0 ss:$0x81] =	vst.msk $0xffff, v1  }
0x37: {  	s15 =	sshra.s32 s19, $0x2;
	v1 =	vld [tilespmem:s18+$0xFFFFFFE0]  }
0x38: {  	s15 =	sadd.s32 s15, s16  }
0x39: {  	s18 =	sadd.s32 $0x40, s18;
	[tilespmem:s15+$0x1830 ss:$0x81] =	vst.msk $0xffff, v3  }
.Ltmp4:
0x3a: {  	_ = 	snop;
	(pc) =	sbr.rel .LBB1_4-.Ltmp4, $1  }
0x3b: {  	_ =	sdelay $0x3  }
.LBB1_6:
0x3c: {  	_ =	sfence.sel $0x180000  }
0x3d: {  	s2 =	simm.s32 $0x1;
	[bflag:$0x0] =	sbarrier.arrive $0xFFFF  }
0x3e: {  	s31 =	simm.s32 $0x2;
	[sflag:s2] =	ssyncpa.u1 $0x1  }
0x3f: {  	[sflag:s31] =	ssyncpa.u1 $0x1  }
0x40: {  	p0 =	sne.s32 s0, $0x0;
	_ =	strace $0x9000004A  }
0x41: {  	s0 =	sadd.s32 @!p0 $0x100000, s1;
	[bflag:$0x2] =	sbarrier.arrive $0xFFFF  }
0x42: {  	[sflag:s0] =	ssyncadd.tile.s32 @!p0 $0x1;
	_ =	shalt  }
.Lfunc_end1:
_tile_overlayer_lowered:
.L_overlay_start_2:
0x43: {  	(tag) =	ssettag $0x2  }
0x44: {  	s0 =	rddreg [dreg:$0x0];
	s2 =	stileid.u32  }
0x45: {  	s1 =	rddreg [dreg:$0x1];
	p0 =	sne.s32 s2, $0x0  }
0x46: {  	s3 =	rddreg [dreg:$0x2];
	[bflag:$0x3] =	sbarrier.arrive $0xFFFF;
	s2 =	simm.s32 @!p0 $0x1C01  }
0x47: {  	[timem:s3], [sflag:s2] =	dma.local @!p0 [hbm:s0], s1  }
0x48: {  	s0 =	simm.s32 @!p0 $0x1  }
0x49: {  	_ =	swait.ge @!p0 [sflag:s0], s1  }
0x4a: {  	s1 =	ssub.s32 @!p0 $0x0, s1;
	[sflag:s0] =	ssyncset.done @!p0 $0x0  }
0x4b: {  	[sflag:s0] =	ssyncadd.s32 @!p0 s1  }
0x4c: {  	[bflag:$0x3] =	sbarrier.arrive $0xFFFF  }
0x4d: {  	_ =	shalt  }

</sc_bundles>
